<compile_context>
chip_gen: v7x
topology: tpu7x:2x2x1
jax: 0.10.2.dev20260603
libtpu: 0.0.44.dev20260713+nightly
codegen_flags: <defaults>
</compile_context>

<pallas_src>
import functools

import jax
import jax.numpy as jnp
from jax import lax
from jax.experimental import pallas as pl
from jax.experimental.pallas import tpu as pltpu
from jax.experimental.pallas import tpu_sc as plsc

B, N, K = 4, 4096, 16
CIN, COUT = 32, 32
SCALE = 32.0 ** 0.5
TQ = 256
NQ = N // TQ
DT = 128
_HI = jax.lax.Precision.HIGHEST


def _knn_body(xq_ref, xk_ref, feat_ref, ltw_ref, ltb_ref,
              idx_ref, tab_ref, varphi_ref, acc_ref):
    b = pl.program_id(0)
    q = pl.program_id(1)
    xq = xq_ref[0]
    xk = xk_ref[0]
    q3 = xq[:, 0:3]
    k3 = xk[:, 0:3]
    sqq = jnp.sum(q3 * q3, axis=1)
    sqk = jnp.sum(k3 * k3, axis=1)
    dots = lax.dot_general(q3, k3, (((1,), (1,)), ((), ())),
                           preferred_element_type=jnp.float32)
    d2 = sqq[:, None] + sqk[None, :] - 2.0 * dots
    iota = lax.broadcasted_iota(jnp.int32, (TQ, N), 1)
    inf = jnp.float32(jnp.inf)
    for k in range(K):
        am = jnp.argmin(d2, axis=1)
        idx_ref[:, k] = am + b * N
        d2 = jnp.where(iota == am[:, None], inf, d2)

    @pl.when((b == 0) & (q == 0))
    def _():
        acc_ref[...] = jnp.zeros_like(acc_ref)

    sel = jnp.where(d2 == inf, 1.0, 0.0)
    zq = jnp.zeros((TQ, 12), jnp.float32)
    zk = jnp.zeros((N, 12), jnp.float32)
    xq_p = jnp.concatenate([xq, zq], axis=1)
    xk_p = jnp.concatenate([xk, zk], axis=1)

    def dot_t(a_, b_):
        return lax.dot_general(a_, b_, (((0,), (0,)), ((), ())),
                               preferred_element_type=jnp.float32)

    s = lax.dot_general(sel, xk_p, (((1,), (0,)), ((), ())),
                        preferred_element_type=jnp.float32)
    a_qq = dot_t(xq_p, xq_p)
    cr = dot_t(xq_p, s)
    crt = dot_t(s, xq_p)
    c = jnp.sum(sel, axis=0)
    w = dot_t(xk_p, c[:, None] * xk_p)
    m2blk = float(K) * a_qq - cr - crt + w
    m1blk = float(K) * jnp.sum(xq_p, axis=0) - jnp.sum(s, axis=0)
    acc_ref[0:16, :] += m2blk
    acc_ref[16:17, :] += m1blk[None, :]

    lt = lax.dot_general(feat_ref[0], ltw_ref[...], (((1,), (1,)), ((), ())),
                         preferred_element_type=jnp.float32) + ltb_ref[0:1, :]
    tab_ref[:, 0:4] = xq
    tab_ref[:, 4:16] = zq
    tab_ref[:, 16:80] = lt[:, 32:96]
    tab_ref[:, 80:128] = jnp.zeros((TQ, 48), jnp.float32)
    varphi_ref[...] = lt[:, 0:32]


def _knn_call(xytp, features, lt_w, ltb_pad):
    return pl.pallas_call(
        _knn_body,
        grid=(B, NQ),
        in_specs=[
            pl.BlockSpec((1, TQ, 4), lambda b, q: (b, q, 0)),
            pl.BlockSpec((1, N, 4), lambda b, q: (b, 0, 0)),
            pl.BlockSpec((1, TQ, CIN), lambda b, q: (b, q, 0)),
            pl.BlockSpec((3 * COUT, CIN), lambda b, q: (0, 0)),
            pl.BlockSpec((8, 3 * COUT), lambda b, q: (0, 0)),
        ],
        out_specs=[
            pl.BlockSpec((TQ, K), lambda b, q: (b * NQ + q, 0)),
            pl.BlockSpec((TQ, DT), lambda b, q: (b * NQ + q, 0)),
            pl.BlockSpec((TQ, COUT), lambda b, q: (b * NQ + q, 0)),
            pl.BlockSpec((24, 16), lambda b, q: (0, 0)),
        ],
        out_shape=[
            jax.ShapeDtypeStruct((B * N, K), jnp.int32),
            jax.ShapeDtypeStruct((B * N, DT), jnp.float32),
            jax.ShapeDtypeStruct((B * N, COUT), jnp.float32),
            jax.ShapeDtypeStruct((24, 16), jnp.float32),
        ],
    )(xytp, xytp, features, lt_w, ltb_pad)


_NW = 32
_IPW = (B * N * K) // _NW
_CH = 128
_NCH = _IPW // _CH


def _sc_gather_body(tab_hbm, idx_hbm, out_hbm,
                    idx_v0, idx_v1, rows_v0, rows_v1, sem0, sem1):
    wid = lax.axis_index("s") * 2 + lax.axis_index("c")
    base = wid * _IPW

    def off(j):
        return pl.multiple_of(base + j * _CH, _CH)

    pltpu.sync_copy(idx_hbm.at[pl.ds(off(0), _CH)], idx_v0)
    pltpu.async_copy(tab_hbm.at[idx_v0], rows_v0, sem0)

    def pair(i, carry):
        c0 = 2 * i
        pltpu.sync_copy(idx_hbm.at[pl.ds(off(c0 + 1), _CH)], idx_v1)
        pltpu.async_copy(tab_hbm.at[idx_v1], rows_v1, sem1)
        pltpu.make_async_copy(tab_hbm.at[idx_v0], rows_v0, sem0).wait()
        pltpu.sync_copy(rows_v0, out_hbm.at[pl.ds(off(c0), _CH)])

        @pl.when(i < _NCH // 2 - 1)
        def _():
            pltpu.sync_copy(idx_hbm.at[pl.ds(off(c0 + 2), _CH)], idx_v0)
            pltpu.async_copy(tab_hbm.at[idx_v0], rows_v0, sem0)

        pltpu.make_async_copy(tab_hbm.at[idx_v1], rows_v1, sem1).wait()
        pltpu.sync_copy(rows_v1, out_hbm.at[pl.ds(off(c0 + 1), _CH)])
        return carry

    lax.fori_loop(0, _NCH // 2, pair, 0)


def _sc_gather_call(tab, idx_flat):
    mesh = plsc.VectorSubcoreMesh(core_axis_name="c", subcore_axis_name="s")
    k = functools.partial(
        pl.kernel,
        out_type=jax.ShapeDtypeStruct((B * N * K, DT), jnp.float32),
        mesh=mesh,
        scratch_types=[
            pltpu.VMEM((_CH,), jnp.int32),
            pltpu.VMEM((_CH,), jnp.int32),
            pltpu.VMEM((_CH, DT), jnp.float32),
            pltpu.VMEM((_CH, DT), jnp.float32),
            pltpu.SemaphoreType.DMA,
            pltpu.SemaphoreType.DMA,
        ],
    )(_sc_gather_body)
    return k(tab, idx_flat)


TA = 512
NA = (B * N) // TA


def _attn_body(g_ref, tq_ref, varphi_ref, w1p_ref, pe2p_ref, vecs_ref,
               out_ref):
    g = g_ref[...]
    xg = g[:, 0:16]
    q = tq_ref[:, 0:16]
    qb = jnp.broadcast_to(q[:, None, :], (TA, K, 16)).reshape(TA * K, 16)
    rel = qb - xg
    h = lax.dot_general(rel, w1p_ref[...], (((1,), (0,)), ((), ())),
                        preferred_element_type=jnp.float32) + vecs_ref[0:1, 0:16]
    h = jnp.maximum(h, 0.0)
    delta = lax.dot_general(h, pe2p_ref[...], (((1,), (0,)), ((), ())),
                            preferred_element_type=jnp.float32) + vecs_ref[1:2, 0:32]
    deltak = delta.reshape(TA, K, COUT)
    psi = g[:, 16:48].reshape(TA, K, COUT)
    alpha = g[:, 48:80].reshape(TA, K, COUT)
    pre = varphi_ref[...][:, None, :] - psi + deltak
    m = jnp.mean(pre, axis=2, keepdims=True)
    ms = jnp.mean(pre * pre, axis=2, keepdims=True)
    v = ms - m * m
    ln_g = vecs_ref[2:3, 0:32].reshape(1, 1, COUT)
    ln_b = vecs_ref[3:4, 0:32].reshape(1, 1, COUT)
    ln = (pre - m) / jnp.sqrt(v + 1e-5) * ln_g + ln_b
    z = ln * (1.0 / SCALE)
    zmax = jnp.max(z, axis=1, keepdims=True)
    e = jnp.exp(z - zmax)
    s = e / jnp.sum(e, axis=1, keepdims=True)
    out_ref[...] = jnp.sum(s * (alpha + deltak), axis=1)


def _attn_call(g, tab, varphi, w1p, pe2p, vecs):
    return pl.pallas_call(
        _attn_body,
        grid=(NA,),
        in_specs=[
            pl.BlockSpec((TA * K, DT), lambda i: (i, 0)),
            pl.BlockSpec((TA, DT), lambda i: (i, 0)),
            pl.BlockSpec((TA, COUT), lambda i: (i, 0)),
            pl.BlockSpec((16, 16), lambda i: (0, 0)),
            pl.BlockSpec((16, COUT), lambda i: (0, 0)),
            pl.BlockSpec((8, 128), lambda i: (0, 0)),
        ],
        out_specs=pl.BlockSpec((TA, COUT), lambda i: (i, 0)),
        out_shape=jax.ShapeDtypeStruct((B * N, COUT), jnp.float32),
    )(g, tab, varphi, w1p, pe2p, vecs)


def kernel(xytp, features, pe1_w, pe1_b, bn_g, bn_b, pe2_w, pe2_b,
           lt_w, lt_b, ln_g, ln_b):
    ltb_pad = jnp.zeros((8, 3 * COUT), jnp.float32).at[0, :].set(lt_b)
    idx, tab, varphi, acc = _knn_call(xytp, features, lt_w, ltb_pad)
    g = _sc_gather_call(tab, idx.reshape(B * N * K))

    cnt = float(B * N * K)
    m2 = acc[0:4, 0:4] / cnt
    m1 = acc[16, 0:4] / cnt
    mu_h = m1 @ pe1_w.T + pe1_b
    ex2 = (jnp.sum((pe1_w @ m2) * pe1_w, axis=1)
           + 2.0 * pe1_b * (pe1_w @ m1) + pe1_b ** 2)
    var_h = ex2 - mu_h ** 2
    ge = bn_g / jnp.sqrt(var_h + 1e-5)
    w1 = pe1_w * ge[:, None]
    b1 = (pe1_b - mu_h) * ge + bn_b
    w1p = jnp.zeros((16, 16), jnp.float32).at[0:4, 0:4].set(w1.T)
    pe2p = jnp.zeros((16, COUT), jnp.float32).at[0:4, :].set(pe2_w.T)
    vecs = (jnp.zeros((8, 128), jnp.float32)
            .at[0, 0:4].set(b1)
            .at[1, 0:32].set(pe2_b)
            .at[2, 0:32].set(ln_g)
            .at[3, 0:32].set(ln_b))
    out = _attn_call(g, tab, varphi, w1p, pe2p, vecs)
    return out.reshape(B, N, COUT)

# --- scband reference (transcript-rebuilt; emitter-appended) ---
"""Pipeline reference for scband-lxformer-40303973105900 (READ-ONLY COPY).

The authoritative reference and input builder live on the scoring server;
editing this copy changes nothing except your own understanding.
"""

import jax, jax.numpy as jnp
import numpy as np

B, N, K = 4, 4096, 16
CIN, COUT = 32, 32
SCALE = float(np.sqrt(COUT))


def _gather(x, idx):
    # knn_gather: out[b, n, k, :] = x[b, idx[b, n, k], :]
    return jax.vmap(lambda xb, ib: xb[ib])(x, idx)


def _forward(xytp, features, pe1_w, pe1_b, bn_g, bn_b, pe2_w, pe2_b, lt_w, lt_b, ln_g, ln_b):
    # xyt = xytp[:, :, :3].clone().detach()
    xyt = jax.lax.stop_gradient(xytp[:, :, :3])
    sq = jnp.sum(xyt * xyt, axis=-1)
    d2 = sq[:, :, None] + sq[:, None, :] - 2.0 * jnp.einsum('bnd,bmd->bnm', xyt, xyt)
    _, idx = jax.lax.top_k(-d2, K)  # knn_points(...).idx, nearest K incl. self
    # PositionEncoder on relative coords
    rel = xytp[:, :, None, :] - _gather(xytp, idx)  # [B, N, K, 4]
    h = rel @ pe1_w.T + pe1_b
    b, n, k, f = h.shape
    h2 = jnp.transpose(h.reshape(b * n, k, f), (0, 2, 1))  # [B*N, F, K]
    mu = jnp.mean(h2, axis=(0, 2), keepdims=True)
    var = jnp.var(h2, axis=(0, 2), keepdims=True)
    h2 = (h2 - mu) / jnp.sqrt(var + 1e-5) * bn_g[None, :, None] + bn_b[None, :, None]
    h = jnp.transpose(h2, (0, 2, 1))
    h = jnp.maximum(h, 0.0)
    delta = (h @ pe2_w.T + pe2_b).reshape(b, n, k, -1)  # [B, N, K, 32]
    # local transformations
    lt = features @ lt_w.T + lt_b  # [B, N, 96]
    c = lt.shape[-1] // 3
    varphi = lt[..., :c]
    psi = lt[..., c:2 * c]
    alpha = lt[..., 2 * c:]
    psi_g = _gather(psi, idx)
    alpha_g = _gather(alpha, idx)
    pre = varphi[:, :, None, :] - psi_g + delta
    m = jnp.mean(pre, axis=-1, keepdims=True)
    v = jnp.var(pre, axis=-1, keepdims=True)
    ln = (pre - m) / jnp.sqrt(v + 1e-5) * ln_g + ln_b
    attn = jax.nn.softmax(ln / SCALE, axis=2) * (alpha_g + delta)
    return jnp.sum(attn, axis=2)


def setup_inputs(seed: int = 0):
    key = jax.random.key(seed)
    ks = jax.random.split(key, 6)
    return {
        'xytp': jax.random.normal(ks[0], (B, N, 4), jnp.float32),
        'features': jax.random.normal(ks[1], (B, N, CIN), jnp.float32),
        'pe1_w': jax.random.normal(ks[2], (4, 4), jnp.float32) * 0.5,
        'pe1_b': jnp.zeros((4,), jnp.float32),
        'bn_g': jnp.ones((4,), jnp.float32),
        'bn_b': jnp.zeros((4,), jnp.float32),
        'pe2_w': jax.random.normal(ks[3], (COUT, 4), jnp.float32) * 0.5,
        'pe2_b': jnp.zeros((COUT,), jnp.float32),
        'lt_w': jax.random.normal(ks[4], (3 * COUT, CIN), jnp.float32) * 0.1,
        'lt_b': jnp.zeros((3 * COUT,), jnp.float32),
        'ln_g': jnp.ones((CIN,), jnp.float32),
        'ln_b': jnp.zeros((CIN,), jnp.float32),
    }


def reference(xytp, features, pe1_w, pe1_b, bn_g, bn_b, pe2_w, pe2_b, lt_w, lt_b, ln_g, ln_b):
    return _forward(xytp, features, pe1_w, pe1_b, bn_g, bn_b, pe2_w, pe2_b, lt_w, lt_b, ln_g, ln_b)

if __name__ == "__main__":
    import jax
    _d = setup_inputs()
    print(jax.jit(kernel)(*tuple(_d.values())))

</pallas_src>

<mosaic_0001>
#map = affine_map<(d0, d1) -> (0, 0)>
#map1 = affine_map<(d0, d1) -> (0)>
module attributes {stable_mosaic.version = 14 : i64} {
  func.func @_sc_gather_body(%arg0: i32, %arg1: i32, %arg2: memref<16384x128xf32, #tpu.memory_space<hbm>>, %arg3: memref<262144xi32, #tpu.memory_space<hbm>>, %arg4: memref<262144x128xf32, #tpu.memory_space<hbm>>, %arg5: memref<128xi32, #tpu.memory_space<vmem>>, %arg6: memref<128xi32, #tpu.memory_space<vmem>>, %arg7: memref<128x128xf32, #tpu.memory_space<vmem>>, %arg8: memref<128x128xf32, #tpu.memory_space<vmem>>, %arg9: memref<!tpu.dma_semaphore, #tpu.memory_space<semaphore_mem>>, %arg10: memref<!tpu.dma_semaphore, #tpu.memory_space<semaphore_mem>>) attributes {dimension_semantics = [#tpu.dimension_semantics<core_parallel>, #tpu.dimension_semantics<subcore_parallel>], iteration_bounds = array<i64: 2, 16>, scalar_prefetch = 0 : i64, scratch_operands = 6 : i64, tpu.core_type = #tpu.core_type<sc_vector_subcore>, window_params = [{transform_indices = #map}, {transform_indices = #map1}, {transform_indices = #map}]} {
    %mul3A = arith.constant 2 : i32
    %mul3A_0 = arith.muli %arg1, %mul3A : i32
    %add3A = arith.addi %mul3A_0, %arg0 : i32
    %mul3A_1 = arith.constant 8192 : i32
    %mul3A_2 = arith.muli %add3A, %mul3A_1 : i32
    %add3A_3 = arith.constant 0 : i32
    %add3A_4 = arith.addi %mul3A_2, %add3A_3 : i32
    %multiple_of3A = tpu.assume_multiple %add3A_4, 128 : i32
    "tpu.region"() ({
      %run_scoped3A = tpu.sem_alloc : memref<!tpu.dma_semaphore, #tpu.memory_space<semaphore_mem>>
      %dma_start3A_12 = tpu.memref_slice %arg3[%multiple_of3A] : memref<262144xi32, #tpu.memory_space<hbm>> -> memref<128xi32, #tpu.memory_space<hbm>>
      %dma_start3A_13 = tpu.memref_slice %arg3[%multiple_of3A] : memref<262144xi32, #tpu.memory_space<hbm>> -> memref<128xi32, #tpu.memory_space<hbm>>
      tpu.enqueue_dma source(%dma_start3A_13 : memref<128xi32, #tpu.memory_space<hbm>>) target(%arg5 : memref<128xi32, #tpu.memory_space<vmem>>) target_semaphore(%run_scoped3A : memref<!tpu.dma_semaphore, #tpu.memory_space<semaphore_mem>>)
      %dma_wait3A = tpu.memref_slice %arg3[%multiple_of3A] : memref<262144xi32, #tpu.memory_space<hbm>> -> memref<128xi32, #tpu.memory_space<hbm>>
      %dma_wait3A_14 = tpu.memref_slice %arg3[%multiple_of3A] : memref<262144xi32, #tpu.memory_space<hbm>> -> memref<128xi32, #tpu.memory_space<hbm>>
      tpu.wait_dma2 semaphore(%run_scoped3A : memref<!tpu.dma_semaphore, #tpu.memory_space<semaphore_mem>>) src(%dma_wait3A_14 : memref<128xi32, #tpu.memory_space<hbm>>) dst(%arg5 : memref<128xi32, #tpu.memory_space<vmem>>)
      tpu.yield
    }) : () -> ()
    %dma_start3A = arith.constant 0 : i32
    %dma_start3A_5 = arith.constant 0 : i32
    %dma_start3A_6 = tpu.memref_slice %arg2[%dma_start3A, %dma_start3A_5] : memref<16384x128xf32, #tpu.memory_space<hbm>> -> memref<16384x128xf32, #tpu.memory_space<hbm>>
    tpu.enqueue_indirect_dma source(%dma_start3A_6 : memref<16384x128xf32, #tpu.memory_space<hbm>>) target(%arg7 : memref<128x128xf32, #tpu.memory_space<vmem>>) offsets(%arg5 : memref<128xi32, #tpu.memory_space<vmem>>) semaphore(%arg9 : memref<!tpu.dma_semaphore, #tpu.memory_space<semaphore_mem>>)
    %scan3A = arith.constant 0 : i32
    %scan3A_7 = arith.constant 0 : i32
    %scan3A_8 = arith.constant 32 : i32
    %scan3A_9 = arith.addi %scan3A_7, %scan3A_8 : i32
    %scan3A_10 = arith.constant 1 : i32
    scf.for %scan3A_12 = %scan3A_7 to %scan3A_9 step %scan3A_10  : i32 {
      %mul3A_13 = arith.constant 2 : i32
      %mul3A_14 = arith.muli %mul3A_13, %scan3A_12 : i32
      %add3A_15 = arith.constant 1 : i32
      %add3A_16 = arith.addi %mul3A_14, %add3A_15 : i32
      %mul3A_17 = arith.constant 128 : i32
      %mul3A_18 = arith.muli %add3A_16, %mul3A_17 : i32
      %add3A_19 = arith.addi %mul3A_2, %mul3A_18 : i32
      %multiple_of3A_20 = tpu.assume_multiple %add3A_19, 128 : i32
      "tpu.region"() ({
        %run_scoped3A = tpu.sem_alloc : memref<!tpu.dma_semaphore, #tpu.memory_space<semaphore_mem>>
        %dma_start3A_41 = tpu.memref_slice %arg3[%multiple_of3A_20] : memref<262144xi32, #tpu.memory_space<hbm>> -> memref<128xi32, #tpu.memory_space<hbm>>
        %dma_start3A_42 = tpu.memref_slice %arg3[%multiple_of3A_20] : memref<262144xi32, #tpu.memory_space<hbm>> -> memref<128xi32, #tpu.memory_space<hbm>>
        tpu.enqueue_dma source(%dma_start3A_42 : memref<128xi32, #tpu.memory_space<hbm>>) target(%arg6 : memref<128xi32, #tpu.memory_space<vmem>>) target_semaphore(%run_scoped3A : memref<!tpu.dma_semaphore, #tpu.memory_space<semaphore_mem>>)
        %dma_wait3A_43 = tpu.memref_slice %arg3[%multiple_of3A_20] : memref<262144xi32, #tpu.memory_space<hbm>> -> memref<128xi32, #tpu.memory_space<hbm>>
        %dma_wait3A_44 = tpu.memref_slice %arg3[%multiple_of3A_20] : memref<262144xi32, #tpu.memory_space<hbm>> -> memref<128xi32, #tpu.memory_space<hbm>>
        tpu.wait_dma2 semaphore(%run_scoped3A : memref<!tpu.dma_semaphore, #tpu.memory_space<semaphore_mem>>) src(%dma_wait3A_44 : memref<128xi32, #tpu.memory_space<hbm>>) dst(%arg6 : memref<128xi32, #tpu.memory_space<vmem>>)
        tpu.yield
      }) : () -> ()
      %dma_start3A_21 = arith.constant 0 : i32
      %dma_start3A_22 = arith.constant 0 : i32
      %dma_start3A_23 = tpu.memref_slice %arg2[%dma_start3A_21, %dma_start3A_22] : memref<16384x128xf32, #tpu.memory_space<hbm>> -> memref<16384x128xf32, #tpu.memory_space<hbm>>
      tpu.enqueue_indirect_dma source(%dma_start3A_23 : memref<16384x128xf32, #tpu.memory_space<hbm>>) target(%arg8 : memref<128x128xf32, #tpu.memory_space<vmem>>) offsets(%arg6 : memref<128xi32, #tpu.memory_space<vmem>>) semaphore(%arg10 : memref<!tpu.dma_semaphore, #tpu.memory_space<semaphore_mem>>)
      %dma_wait3A = arith.constant 0 : i32
      %dma_wait3A_24 = arith.constant 0 : i32
      %dma_wait3A_25 = tpu.memref_slice %arg2[%dma_wait3A, %dma_wait3A_24] : memref<16384x128xf32, #tpu.memory_space<hbm>> -> memref<16384x128xf32, #tpu.memory_space<hbm>>
      tpu.wait_indirect_dma semaphore(%arg9 : memref<!tpu.dma_semaphore, #tpu.memory_space<semaphore_mem>>) src(%dma_wait3A_25 : memref<16384x128xf32, #tpu.memory_space<hbm>>) dst(%arg7 : memref<128x128xf32, #tpu.memory_space<vmem>>)
      %mul3A_26 = arith.constant 128 : i32
      %mul3A_27 = arith.muli %mul3A_14, %mul3A_26 : i32
      %add3A_28 = arith.addi %mul3A_2, %mul3A_27 : i32
      %multiple_of3A_29 = tpu.assume_multiple %add3A_28, 128 : i32
      "tpu.region"() ({
        %run_scoped3A = tpu.sem_alloc : memref<!tpu.dma_semaphore, #tpu.memory_space<semaphore_mem>>
        %dma_start3A_41 = arith.constant 0 : i32
        %dma_start3A_42 = tpu.memref_slice %arg4[%multiple_of3A_29, %dma_start3A_41] : memref<262144x128xf32, #tpu.memory_space<hbm>> -> memref<128x128xf32, #tpu.memory_space<hbm>>
        %dma_start3A_43 = arith.constant 0 : i32
        %dma_start3A_44 = tpu.memref_slice %arg4[%multiple_of3A_29, %dma_start3A_43] : memref<262144x128xf32, #tpu.memory_space<hbm>> -> memref<128x128xf32, #tpu.memory_space<hbm>>
        tpu.enqueue_dma source(%arg7 : memref<128x128xf32, #tpu.memory_space<vmem>>) target(%dma_start3A_44 : memref<128x128xf32, #tpu.memory_space<hbm>>) target_semaphore(%run_scoped3A : memref<!tpu.dma_semaphore, #tpu.memory_space<semaphore_mem>>)
        %dma_wait3A_45 = arith.constant 0 : i32
        %dma_wait3A_46 = tpu.memref_slice %arg4[%multiple_of3A_29, %dma_wait3A_45] : memref<262144x128xf32, #tpu.memory_space<hbm>> -> memref<128x128xf32, #tpu.memory_space<hbm>>
        %dma_wait3A_47 = arith.constant 0 : i32
        %dma_wait3A_48 = tpu.memref_slice %arg4[%multiple_of3A_29, %dma_wait3A_47] : memref<262144x128xf32, #tpu.memory_space<hbm>> -> memref<128x128xf32, #tpu.memory_space<hbm>>
        tpu.wait_dma2 semaphore(%run_scoped3A : memref<!tpu.dma_semaphore, #tpu.memory_space<semaphore_mem>>) src(%arg7 : memref<128x128xf32, #tpu.memory_space<vmem>>) dst(%dma_wait3A_48 : memref<128x128xf32, #tpu.memory_space<hbm>>)
        tpu.yield
      }) : () -> ()
      %lt3A = arith.constant 31 : i32
      %lt3A_30 = arith.cmpi slt, %scan3A_12, %lt3A : i32
      %convert_element_type3A = arith.extui %lt3A_30 : i1 to i32
      %cond3A = arith.constant 0 : i32
      %cond3A_31 = arith.cmpi ne, %convert_element_type3A, %cond3A : i32
      scf.if %cond3A_31 {
        %add3A_41 = arith.constant 2 : i32
        %add3A_42 = arith.addi %mul3A_14, %add3A_41 : i32
        %mul3A_43 = arith.constant 128 : i32
        %mul3A_44 = arith.muli %add3A_42, %mul3A_43 : i32
        %add3A_45 = arith.addi %mul3A_2, %mul3A_44 : i32
        %multiple_of3A_46 = tpu.assume_multiple %add3A_45, 128 : i32
        "tpu.region"() ({
          %run_scoped3A = tpu.sem_alloc : memref<!tpu.dma_semaphore, #tpu.memory_space<semaphore_mem>>
          %dma_start3A_50 = tpu.memref_slice %arg3[%multiple_of3A_46] : memref<262144xi32, #tpu.memory_space<hbm>> -> memref<128xi32, #tpu.memory_space<hbm>>
          %dma_start3A_51 = tpu.memref_slice %arg3[%multiple_of3A_46] : memref<262144xi32, #tpu.memory_space<hbm>> -> memref<128xi32, #tpu.memory_space<hbm>>
          tpu.enqueue_dma source(%dma_start3A_51 : memref<128xi32, #tpu.memory_space<hbm>>) target(%arg5 : memref<128xi32, #tpu.memory_space<vmem>>) target_semaphore(%run_scoped3A : memref<!tpu.dma_semaphore, #tpu.memory_space<semaphore_mem>>)
          %dma_wait3A_52 = tpu.memref_slice %arg3[%multiple_of3A_46] : memref<262144xi32, #tpu.memory_space<hbm>> -> memref<128xi32, #tpu.memory_space<hbm>>
          %dma_wait3A_53 = tpu.memref_slice %arg3[%multiple_of3A_46] : memref<262144xi32, #tpu.memory_space<hbm>> -> memref<128xi32, #tpu.memory_space<hbm>>
          tpu.wait_dma2 semaphore(%run_scoped3A : memref<!tpu.dma_semaphore, #tpu.memory_space<semaphore_mem>>) src(%dma_wait3A_53 : memref<128xi32, #tpu.memory_space<hbm>>) dst(%arg5 : memref<128xi32, #tpu.memory_space<vmem>>)
          tpu.yield
        }) : () -> ()
        %dma_start3A_47 = arith.constant 0 : i32
        %dma_start3A_48 = arith.constant 0 : i32
        %dma_start3A_49 = tpu.memref_slice %arg2[%dma_start3A_47, %dma_start3A_48] : memref<16384x128xf32, #tpu.memory_space<hbm>> -> memref<16384x128xf32, #tpu.memory_space<hbm>>
        tpu.enqueue_indirect_dma source(%dma_start3A_49 : memref<16384x128xf32, #tpu.memory_space<hbm>>) target(%arg7 : memref<128x128xf32, #tpu.memory_space<vmem>>) offsets(%arg5 : memref<128xi32, #tpu.memory_space<vmem>>) semaphore(%arg9 : memref<!tpu.dma_semaphore, #tpu.memory_space<semaphore_mem>>)
      } else {
      }
      %dma_wait3A_32 = arith.constant 0 : i32
      %dma_wait3A_33 = arith.constant 0 : i32
      %dma_wait3A_34 = tpu.memref_slice %arg2[%dma_wait3A_32, %dma_wait3A_33] : memref<16384x128xf32, #tpu.memory_space<hbm>> -> memref<16384x128xf32, #tpu.memory_space<hbm>>
      tpu.wait_indirect_dma semaphore(%arg10 : memref<!tpu.dma_semaphore, #tpu.memory_space<semaphore_mem>>) src(%dma_wait3A_34 : memref<16384x128xf32, #tpu.memory_space<hbm>>) dst(%arg8 : memref<128x128xf32, #tpu.memory_space<vmem>>)
      %add3A_35 = arith.constant 1 : i32
      %add3A_36 = arith.addi %mul3A_14, %add3A_35 : i32
      %mul3A_37 = arith.constant 128 : i32
      %mul3A_38 = arith.muli %add3A_36, %mul3A_37 : i32
      %add3A_39 = arith.addi %mul3A_2, %mul3A_38 : i32
      %multiple_of3A_40 = tpu.assume_multiple %add3A_39, 128 : i32
      "tpu.region"() ({
        %run_scoped3A = tpu.sem_alloc : memref<!tpu.dma_semaphore, #tpu.memory_space<semaphore_mem>>
        %dma_start3A_41 = arith.constant 0 : i32
        %dma_start3A_42 = tpu.memref_slice %arg4[%multiple_of3A_40, %dma_start3A_41] : memref<262144x128xf32, #tpu.memory_space<hbm>> -> memref<128x128xf32, #tpu.memory_space<hbm>>
        %dma_start3A_43 = arith.constant 0 : i32
        %dma_start3A_44 = tpu.memref_slice %arg4[%multiple_of3A_40, %dma_start3A_43] : memref<262144x128xf32, #tpu.memory_space<hbm>> -> memref<128x128xf32, #tpu.memory_space<hbm>>
        tpu.enqueue_dma source(%arg8 : memref<128x128xf32, #tpu.memory_space<vmem>>) target(%dma_start3A_44 : memref<128x128xf32, #tpu.memory_space<hbm>>) target_semaphore(%run_scoped3A : memref<!tpu.dma_semaphore, #tpu.memory_space<semaphore_mem>>)
        %dma_wait3A_45 = arith.constant 0 : i32
        %dma_wait3A_46 = tpu.memref_slice %arg4[%multiple_of3A_40, %dma_wait3A_45] : memref<262144x128xf32, #tpu.memory_space<hbm>> -> memref<128x128xf32, #tpu.memory_space<hbm>>
        %dma_wait3A_47 = arith.constant 0 : i32
        %dma_wait3A_48 = tpu.memref_slice %arg4[%multiple_of3A_40, %dma_wait3A_47] : memref<262144x128xf32, #tpu.memory_space<hbm>> -> memref<128x128xf32, #tpu.memory_space<hbm>>
        tpu.wait_dma2 semaphore(%run_scoped3A : memref<!tpu.dma_semaphore, #tpu.memory_space<semaphore_mem>>) src(%arg8 : memref<128x128xf32, #tpu.memory_space<vmem>>) dst(%dma_wait3A_48 : memref<128x128xf32, #tpu.memory_space<hbm>>)
        tpu.yield
      }) : () -> ()
    }
    %scan3A_11 = arith.constant 32 : i32
    return
  }
}

module attributes {stable_mosaic.version = 14 : i64} {
  func.func @_knn_body(%arg0: i32, %arg1: i32, %arg2: memref<1x256x4xf32, #tpu.memory_space<vmem>>, %arg3: memref<1x4096x4xf32, #tpu.memory_space<vmem>>, %arg4: memref<1x256x32xf32, #tpu.memory_space<vmem>>, %arg5: memref<96x32xf32, #tpu.memory_space<vmem>>, %arg6: memref<8x96xf32, #tpu.memory_space<vmem>>, %arg7: memref<256x16xi32, #tpu.memory_space<vmem>>, %arg8: memref<256x128xf32, #tpu.memory_space<vmem>>, %arg9: memref<256x32xf32, #tpu.memory_space<vmem>>, %arg10: memref<24x16xf32, #tpu.memory_space<vmem>>) attributes {dimension_semantics = [#tpu.dimension_semantics<arbitrary>, #tpu.dimension_semantics<arbitrary>], iteration_bounds = array<i64: 4, 16>, scalar_prefetch = 0 : i64, scratch_operands = 0 : i64, tpu.core_type = #tpu.core_type<tc>, window_params = [{transform_indices = @transform_0, window_bounds = array<i64: 1, 256, 4>}, {transform_indices = @transform_1, window_bounds = array<i64: 1, 4096, 4>}, {transform_indices = @transform_2, window_bounds = array<i64: 1, 256, 32>}, {pipeline_mode = #tpu.pipeline_mode<synchronous>, transform_indices = @transform_3, window_bounds = array<i64: 96, 32>}, {pipeline_mode = #tpu.pipeline_mode<synchronous>, transform_indices = @transform_4, window_bounds = array<i64: 8, 96>}, {transform_indices = @transform_5, window_bounds = array<i64: 256, 16>}, {transform_indices = @transform_6, window_bounds = array<i64: 256, 128>}, {transform_indices = @transform_7, window_bounds = array<i64: 256, 32>}, {pipeline_mode = #tpu.pipeline_mode<synchronous>, transform_indices = @transform_8, window_bounds = array<i64: 24, 16>}]} {
    %get3A = arith.constant 0 : index
    %get3A_0 = arith.constant 0 : index
    %get3A_1 = arith.constant 0 : index
    %get3A_2 = vector.load %arg2[%get3A, %get3A_0, %get3A_1] : memref<1x256x4xf32, #tpu.memory_space<vmem>>, vector<1x256x4xf32>
    %get3A_3 = vector.shape_cast %get3A_2 : vector<1x256x4xf32> to vector<256x4xf32>
    %get3A_4 = arith.constant 0 : index
    %get3A_5 = arith.constant 0 : index
    %get3A_6 = arith.constant 0 : index
    %get3A_7 = vector.load %arg3[%get3A_4, %get3A_5, %get3A_6] : memref<1x4096x4xf32, #tpu.memory_space<vmem>>, vector<1x4096x4xf32>
    %get3A_8 = vector.shape_cast %get3A_7 : vector<1x4096x4xf32> to vector<4096x4xf32>
    %slice3A = vector.extract_strided_slice %get3A_3 {offsets = [0, 0], sizes = [256, 3], strides = [1, 1]} : vector<256x4xf32> to vector<256x3xf32>
    %slice3A_9 = vector.extract_strided_slice %get3A_8 {offsets = [0, 0], sizes = [4096, 3], strides = [1, 1]} : vector<4096x4xf32> to vector<4096x3xf32>
    %mul3A = arith.mulf %slice3A, %slice3A : vector<256x3xf32>
    %reduce_sum3A = arith.constant dense<0.000000e+00> : vector<256xf32>
    %reduce_sum3A_10 = vector.multi_reduction <add>, %mul3A, %reduce_sum3A [1] : vector<256x3xf32> to vector<256xf32>
    %mul3A_11 = arith.mulf %slice3A_9, %slice3A_9 : vector<4096x3xf32>
    %reduce_sum3A_12 = arith.constant dense<0.000000e+00> : vector<4096xf32>
    %reduce_sum3A_13 = vector.multi_reduction <add>, %mul3A_11, %reduce_sum3A_12 [1] : vector<4096x3xf32> to vector<4096xf32>
    %dot_general3A = arith.constant dense<0.000000e+00> : vector<256x4096xf32>
    %dot_general3A_14 = tpu.matmul %slice3A, %slice3A_9, %dot_general3A {dimension_numbers = #tpu.dot_dimension_numbers<[1], [1], [0], [0], [0, 0, 1, 0], [], []>, transpose_lhs_hint = false} : vector<256x3xf32>, vector<4096x3xf32>, vector<256x4096xf32> -> vector<256x4096xf32>
    %broadcast_in_dim3A = vector.shape_cast %reduce_sum3A_10 : vector<256xf32> to vector<256x1xf32>
    %broadcast_in_dim3A_15 = vector.shape_cast %reduce_sum3A_13 : vector<4096xf32> to vector<1x4096xf32>
    %add3A = vector.broadcast %broadcast_in_dim3A : vector<256x1xf32> to vector<256x4096xf32>
    %add3A_16 = vector.broadcast %broadcast_in_dim3A_15 : vector<1x4096xf32> to vector<256x4096xf32>
    %add3A_17 = arith.addf %add3A, %add3A_16 : vector<256x4096xf32>
    %mul3A_18 = arith.constant 2.000000e+00 : f32
    %mul3A_19 = vector.broadcast %mul3A_18 : f32 to vector<256x4096xf32>
    %mul3A_20 = arith.mulf %mul3A_19, %dot_general3A_14 : vector<256x4096xf32>
    %sub3A = arith.subf %add3A_17, %mul3A_20 : vector<256x4096xf32>
    %iota3A = tpu.iota {dimensions = array<i32: 1>} : vector<256x4096xi32>
    %argmin3A = tpu.reduce_index %sub3A {axis = 1 : i32, kind = #tpu.reduction_kind<arg_min>} : vector<256x4096xf32> -> vector<256xi32>
    %mul3A_21 = arith.constant 4096 : i32
    %mul3A_22 = arith.muli %arg0, %mul3A_21 : i32
    %add3A_23 = vector.broadcast %mul3A_22 : i32 to vector<256xi32>
    %add3A_24 = arith.addi %argmin3A, %add3A_23 : vector<256xi32>
    %swap3A = arith.constant 0 : index
    %swap3A_25 = arith.constant 0 : index
    %swap3A_26 = vector.load %arg7[%swap3A, %swap3A_25] : memref<256x16xi32, #tpu.memory_space<vmem>>, vector<256x1xi32>
    %swap3A_27 = vector.shape_cast %swap3A_26 : vector<256x1xi32> to vector<256xi32>
    %swap3A_28 = vector.shape_cast %add3A_24 : vector<256xi32> to vector<256x1xi32>
    tpu.vector_store %arg7[%swap3A, %swap3A_25], %swap3A_28 {strides = array<i32>} : memref<256x16xi32, #tpu.memory_space<vmem>>, vector<256x1xi32>,
    %broadcast_in_dim3A_29 = vector.shape_cast %argmin3A : vector<256xi32> to vector<256x1xi32>
    %eq3A = vector.broadcast %broadcast_in_dim3A_29 : vector<256x1xi32> to vector<256x4096xi32>
    %eq3A_30 = arith.cmpi eq, %iota3A, %eq3A : vector<256x4096xi32>
    %jit3A = arith.constant 0x7F800000 : f32
    %broadcast_in_dim3A_31 = vector.broadcast %jit3A : f32 to vector<256x4096xf32>
    %select_n3A = arith.select %eq3A_30, %broadcast_in_dim3A_31, %sub3A : vector<256x4096xi1>, vector<256x4096xf32>
    %argmin3A_32 = tpu.reduce_index %select_n3A {axis = 1 : i32, kind = #tpu.reduction_kind<arg_min>} : vector<256x4096xf32> -> vector<256xi32>
    %mul3A_33 = arith.constant 4096 : i32
    %mul3A_34 = arith.muli %arg0, %mul3A_33 : i32
    %add3A_35 = vector.broadcast %mul3A_34 : i32 to vector<256xi32>
    %add3A_36 = arith.addi %argmin3A_32, %add3A_35 : vector<256xi32>
    %swap3A_37 = arith.constant 0 : index
    %swap3A_38 = arith.constant 1 : index
    %swap3A_39 = vector.load %arg7[%swap3A_37, %swap3A_38] : memref<256x16xi32, #tpu.memory_space<vmem>>, vector<256x1xi32>
    %swap3A_40 = vector.shape_cast %swap3A_39 : vector<256x1xi32> to vector<256xi32>
    %swap3A_41 = vector.shape_cast %add3A_36 : vector<256xi32> to vector<256x1xi32>
    tpu.vector_store %arg7[%swap3A_37, %swap3A_38], %swap3A_41 {strides = array<i32>} : memref<256x16xi32, #tpu.memory_space<vmem>>, vector<256x1xi32>,
    %broadcast_in_dim3A_42 = vector.shape_cast %argmin3A_32 : vector<256xi32> to vector<256x1xi32>
    %eq3A_43 = vector.broadcast %broadcast_in_dim3A_42 : vector<256x1xi32> to vector<256x4096xi32>
    %eq3A_44 = arith.cmpi eq, %iota3A, %eq3A_43 : vector<256x4096xi32>
    %jit3A_45 = arith.constant 0x7F800000 : f32
    %broadcast_in_dim3A_46 = vector.broadcast %jit3A_45 : f32 to vector<256x4096xf32>
    %select_n3A_47 = arith.select %eq3A_44, %broadcast_in_dim3A_46, %select_n3A : vector<256x4096xi1>, vector<256x4096xf32>
    %argmin3A_48 = tpu.reduce_index %select_n3A_47 {axis = 1 : i32, kind = #tpu.reduction_kind<arg_min>} : vector<256x4096xf32> -> vector<256xi32>
    %mul3A_49 = arith.constant 4096 : i32
    %mul3A_50 = arith.muli %arg0, %mul3A_49 : i32
    %add3A_51 = vector.broadcast %mul3A_50 : i32 to vector<256xi32>
    %add3A_52 = arith.addi %argmin3A_48, %add3A_51 : vector<256xi32>
    %swap3A_53 = arith.constant 0 : index
    %swap3A_54 = arith.constant 2 : index
    %swap3A_55 = vector.load %arg7[%swap3A_53, %swap3A_54] : memref<256x16xi32, #tpu.memory_space<vmem>>, vector<256x1xi32>
    %swap3A_56 = vector.shape_cast %swap3A_55 : vector<256x1xi32> to vector<256xi32>
    %swap3A_57 = vector.shape_cast %add3A_52 : vector<256xi32> to vector<256x1xi32>
    tpu.vector_store %arg7[%swap3A_53, %swap3A_54], %swap3A_57 {strides = array<i32>} : memref<256x16xi32, #tpu.memory_space<vmem>>, vector<256x1xi32>,
    %broadcast_in_dim3A_58 = vector.shape_cast %argmin3A_48 : vector<256xi32> to vector<256x1xi32>
    %eq3A_59 = vector.broadcast %broadcast_in_dim3A_58 : vector<256x1xi32> to vector<256x4096xi32>
    %eq3A_60 = arith.cmpi eq, %iota3A, %eq3A_59 : vector<256x4096xi32>
    %jit3A_61 = arith.constant 0x7F800000 : f32
    %broadcast_in_dim3A_62 = vector.broadcast %jit3A_61 : f32 to vector<256x4096xf32>
    %select_n3A_63 = arith.select %eq3A_60, %broadcast_in_dim3A_62, %select_n3A_47 : vector<256x4096xi1>, vector<256x4096xf32>
    %argmin3A_64 = tpu.reduce_index %select_n3A_63 {axis = 1 : i32, kind = #tpu.reduction_kind<arg_min>} : vector<256x4096xf32> -> vector<256xi32>
    %mul3A_65 = arith.constant 4096 : i32
    %mul3A_66 = arith.muli %arg0, %mul3A_65 : i32
    %add3A_67 = vector.broadcast %mul3A_66 : i32 to vector<256xi32>
    %add3A_68 = arith.addi %argmin3A_64, %add3A_67 : vector<256xi32>
    %swap3A_69 = arith.constant 0 : index
    %swap3A_70 = arith.constant 3 : index
    %swap3A_71 = vector.load %arg7[%swap3A_69, %swap3A_70] : memref<256x16xi32, #tpu.memory_space<vmem>>, vector<256x1xi32>
    %swap3A_72 = vector.shape_cast %swap3A_71 : vector<256x1xi32> to vector<256xi32>
    %swap3A_73 = vector.shape_cast %add3A_68 : vector<256xi32> to vector<256x1xi32>
    tpu.vector_store %arg7[%swap3A_69, %swap3A_70], %swap3A_73 {strides = array<i32>} : memref<256x16xi32, #tpu.memory_space<vmem>>, vector<256x1xi32>,
    %broadcast_in_dim3A_74 = vector.shape_cast %argmin3A_64 : vector<256xi32> to vector<256x1xi32>
    %eq3A_75 = vector.broadcast %broadcast_in_dim3A_74 : vector<256x1xi32> to vector<256x4096xi32>
    %eq3A_76 = arith.cmpi eq, %iota3A, %eq3A_75 : vector<256x4096xi32>
    %jit3A_77 = arith.constant 0x7F800000 : f32
    %broadcast_in_dim3A_78 = vector.broadcast %jit3A_77 : f32 to vector<256x4096xf32>
    %select_n3A_79 = arith.select %eq3A_76, %broadcast_in_dim3A_78, %select_n3A_63 : vector<256x4096xi1>, vector<256x4096xf32>
    %argmin3A_80 = tpu.reduce_index %select_n3A_79 {axis = 1 : i32, kind = #tpu.reduction_kind<arg_min>} : vector<256x4096xf32> -> vector<256xi32>
    %mul3A_81 = arith.constant 4096 : i32
    %mul3A_82 = arith.muli %arg0, %mul3A_81 : i32
    %add3A_83 = vector.broadcast %mul3A_82 : i32 to vector<256xi32>
    %add3A_84 = arith.addi %argmin3A_80, %add3A_83 : vector<256xi32>
    %swap3A_85 = arith.constant 0 : index
    %swap3A_86 = arith.constant 4 : index
    %swap3A_87 = vector.load %arg7[%swap3A_85, %swap3A_86] : memref<256x16xi32, #tpu.memory_space<vmem>>, vector<256x1xi32>
    %swap3A_88 = vector.shape_cast %swap3A_87 : vector<256x1xi32> to vector<256xi32>
    %swap3A_89 = vector.shape_cast %add3A_84 : vector<256xi32> to vector<256x1xi32>
    tpu.vector_store %arg7[%swap3A_85, %swap3A_86], %swap3A_89 {strides = array<i32>} : memref<256x16xi32, #tpu.memory_space<vmem>>, vector<256x1xi32>,
    %broadcast_in_dim3A_90 = vector.shape_cast %argmin3A_80 : vector<256xi32> to vector<256x1xi32>
    %eq3A_91 = vector.broadcast %broadcast_in_dim3A_90 : vector<256x1xi32> to vector<256x4096xi32>
    %eq3A_92 = arith.cmpi eq, %iota3A, %eq3A_91 : vector<256x4096xi32>
    %jit3A_93 = arith.constant 0x7F800000 : f32
    %broadcast_in_dim3A_94 = vector.broadcast %jit3A_93 : f32 to vector<256x4096xf32>
    %select_n3A_95 = arith.select %eq3A_92, %broadcast_in_dim3A_94, %select_n3A_79 : vector<256x4096xi1>, vector<256x4096xf32>
    %argmin3A_96 = tpu.reduce_index %select_n3A_95 {axis = 1 : i32, kind = #tpu.reduction_kind<arg_min>} : vector<256x4096xf32> -> vector<256xi32>
    %mul3A_97 = arith.constant 4096 : i32
    %mul3A_98 = arith.muli %arg0, %mul3A_97 : i32
    %add3A_99 = vector.broadcast %mul3A_98 : i32 to vector<256xi32>
    %add3A_100 = arith.addi %argmin3A_96, %add3A_99 : vector<256xi32>
    %swap3A_101 = arith.constant 0 : index
    %swap3A_102 = arith.constant 5 : index
    %swap3A_103 = vector.load %arg7[%swap3A_101, %swap3A_102] : memref<256x16xi32, #tpu.memory_space<vmem>>, vector<256x1xi32>
    %swap3A_104 = vector.shape_cast %swap3A_103 : vector<256x1xi32> to vector<256xi32>
    %swap3A_105 = vector.shape_cast %add3A_100 : vector<256xi32> to vector<256x1xi32>
    tpu.vector_store %arg7[%swap3A_101, %swap3A_102], %swap3A_105 {strides = array<i32>} : memref<256x16xi32, #tpu.memory_space<vmem>>, vector<256x1xi32>,
    %broadcast_in_dim3A_106 = vector.shape_cast %argmin3A_96 : vector<256xi32> to vector<256x1xi32>
    %eq3A_107 = vector.broadcast %broadcast_in_dim3A_106 : vector<256x1xi32> to vector<256x4096xi32>
    %eq3A_108 = arith.cmpi eq, %iota3A, %eq3A_107 : vector<256x4096xi32>
    %jit3A_109 = arith.constant 0x7F800000 : f32
    %broadcast_in_dim3A_110 = vector.broadcast %jit3A_109 : f32 to vector<256x4096xf32>
    %select_n3A_111 = arith.select %eq3A_108, %broadcast_in_dim3A_110, %select_n3A_95 : vector<256x4096xi1>, vector<256x4096xf32>
    %argmin3A_112 = tpu.reduce_index %select_n3A_111 {axis = 1 : i32, kind = #tpu.reduction_kind<arg_min>} : vector<256x4096xf32> -> vector<256xi32>
    %mul3A_113 = arith.constant 4096 : i32
    %mul3A_114 = arith.muli %arg0, %mul3A_113 : i32
    %add3A_115 = vector.broadcast %mul3A_114 : i32 to vector<256xi32>
    %add3A_116 = arith.addi %argmin3A_112, %add3A_115 : vector<256xi32>
    %swap3A_117 = arith.constant 0 : index
    %swap3A_118 = arith.constant 6 : index
    %swap3A_119 = vector.load %arg7[%swap3A_117, %swap3A_118] : memref<256x16xi32, #tpu.memory_space<vmem>>, vector<256x1xi32>
    %swap3A_120 = vector.shape_cast %swap3A_119 : vector<256x1xi32> to vector<256xi32>
    %swap3A_121 = vector.shape_cast %add3A_116 : vector<256xi32> to vector<256x1xi32>
    tpu.vector_store %arg7[%swap3A_117, %swap3A_118], %swap3A_121 {strides = array<i32>} : memref<256x16xi32, #tpu.memory_space<vmem>>, vector<256x1xi32>,
    %broadcast_in_dim3A_122 = vector.shape_cast %argmin3A_112 : vector<256xi32> to vector<256x1xi32>
    %eq3A_123 = vector.broadcast %broadcast_in_dim3A_122 : vector<256x1xi32> to vector<256x4096xi32>
    %eq3A_124 = arith.cmpi eq, %iota3A, %eq3A_123 : vector<256x4096xi32>
    %jit3A_125 = arith.constant 0x7F800000 : f32
    %broadcast_in_dim3A_126 = vector.broadcast %jit3A_125 : f32 to vector<256x4096xf32>
    %select_n3A_127 = arith.select %eq3A_124, %broadcast_in_dim3A_126, %select_n3A_111 : vector<256x4096xi1>, vector<256x4096xf32>
    %argmin3A_128 = tpu.reduce_index %select_n3A_127 {axis = 1 : i32, kind = #tpu.reduction_kind<arg_min>} : vector<256x4096xf32> -> vector<256xi32>
    %mul3A_129 = arith.constant 4096 : i32
    %mul3A_130 = arith.muli %arg0, %mul3A_129 : i32
    %add3A_131 = vector.broadcast %mul3A_130 : i32 to vector<256xi32>
    %add3A_132 = arith.addi %argmin3A_128, %add3A_131 : vector<256xi32>
    %swap3A_133 = arith.constant 0 : index
    %swap3A_134 = arith.constant 7 : index
    %swap3A_135 = vector.load %arg7[%swap3A_133, %swap3A_134] : memref<256x16xi32, #tpu.memory_space<vmem>>, vector<256x1xi32>
    %swap3A_136 = vector.shape_cast %swap3A_135 : vector<256x1xi32> to vector<256xi32>
    %swap3A_137 = vector.shape_cast %add3A_132 : vector<256xi32> to vector<256x1xi32>
    tpu.vector_store %arg7[%swap3A_133, %swap3A_134], %swap3A_137 {strides = array<i32>} : memref<256x16xi32, #tpu.memory_space<vmem>>, vector<256x1xi32>,
    %broadcast_in_dim3A_138 = vector.shape_cast %argmin3A_128 : vector<256xi32> to vector<256x1xi32>
    %eq3A_139 = vector.broadcast %broadcast_in_dim3A_138 : vector<256x1xi32> to vector<256x4096xi32>
    %eq3A_140 = arith.cmpi eq, %iota3A, %eq3A_139 : vector<256x4096xi32>
    %jit3A_141 = arith.constant 0x7F800000 : f32
    %broadcast_in_dim3A_142 = vector.broadcast %jit3A_141 : f32 to vector<256x4096xf32>
    %select_n3A_143 = arith.select %eq3A_140, %broadcast_in_dim3A_142, %select_n3A_127 : vector<256x4096xi1>, vector<256x4096xf32>
    %argmin3A_144 = tpu.reduce_index %select_n3A_143 {axis = 1 : i32, kind = #tpu.reduction_kind<arg_min>} : vector<256x4096xf32> -> vector<256xi32>
    %mul3A_145 = arith.constant 4096 : i32
    %mul3A_146 = arith.muli %arg0, %mul3A_145 : i32
    %add3A_147 = vector.broadcast %mul3A_146 : i32 to vector<256xi32>
    %add3A_148 = arith.addi %argmin3A_144, %add3A_147 : vector<256xi32>
    %swap3A_149 = arith.constant 0 : index
    %swap3A_150 = arith.constant 8 : index
    %swap3A_151 = vector.load %arg7[%swap3A_149, %swap3A_150] : memref<256x16xi32, #tpu.memory_space<vmem>>, vector<256x1xi32>
    %swap3A_152 = vector.shape_cast %swap3A_151 : vector<256x1xi32> to vector<256xi32>
    %swap3A_153 = vector.shape_cast %add3A_148 : vector<256xi32> to vector<256x1xi32>
    tpu.vector_store %arg7[%swap3A_149, %swap3A_150], %swap3A_153 {strides = array<i32>} : memref<256x16xi32, #tpu.memory_space<vmem>>, vector<256x1xi32>,
    %broadcast_in_dim3A_154 = vector.shape_cast %argmin3A_144 : vector<256xi32> to vector<256x1xi32>
    %eq3A_155 = vector.broadcast %broadcast_in_dim3A_154 : vector<256x1xi32> to vector<256x4096xi32>
    %eq3A_156 = arith.cmpi eq, %iota3A, %eq3A_155 : vector<256x4096xi32>
    %jit3A_157 = arith.constant 0x7F800000 : f32
    %broadcast_in_dim3A_158 = vector.broadcast %jit3A_157 : f32 to vector<256x4096xf32>
    %select_n3A_159 = arith.select %eq3A_156, %broadcast_in_dim3A_158, %select_n3A_143 : vector<256x4096xi1>, vector<256x4096xf32>
    %argmin3A_160 = tpu.reduce_index %select_n3A_159 {axis = 1 : i32, kind = #tpu.reduction_kind<arg_min>} : vector<256x4096xf32> -> vector<256xi32>
    %mul3A_161 = arith.constant 4096 : i32
    %mul3A_162 = arith.muli %arg0, %mul3A_161 : i32
    %add3A_163 = vector.broadcast %mul3A_162 : i32 to vector<256xi32>
    %add3A_164 = arith.addi %argmin3A_160, %add3A_163 : vector<256xi32>
    %swap3A_165 = arith.constant 0 : index
    %swap3A_166 = arith.constant 9 : index
    %swap3A_167 = vector.load %arg7[%swap3A_165, %swap3A_166] : memref<256x16xi32, #tpu.memory_space<vmem>>, vector<256x1xi32>
    %swap3A_168 = vector.shape_cast %swap3A_167 : vector<256x1xi32> to vector<256xi32>
    %swap3A_169 = vector.shape_cast %add3A_164 : vector<256xi32> to vector<256x1xi32>
    tpu.vector_store %arg7[%swap3A_165, %swap3A_166], %swap3A_169 {strides = array<i32>} : memref<256x16xi32, #tpu.memory_space<vmem>>, vector<256x1xi32>,
    %broadcast_in_dim3A_170 = vector.shape_cast %argmin3A_160 : vector<256xi32> to vector<256x1xi32>
    %eq3A_171 = vector.broadcast %broadcast_in_dim3A_170 : vector<256x1xi32> to vector<256x4096xi32>
    %eq3A_172 = arith.cmpi eq, %iota3A, %eq3A_171 : vector<256x4096xi32>
    %jit3A_173 = arith.constant 0x7F800000 : f32
    %broadcast_in_dim3A_174 = vector.broadcast %jit3A_173 : f32 to vector<256x4096xf32>
    %select_n3A_175 = arith.select %eq3A_172, %broadcast_in_dim3A_174, %select_n3A_159 : vector<256x4096xi1>, vector<256x4096xf32>
    %argmin3A_176 = tpu.reduce_index %select_n3A_175 {axis = 1 : i32, kind = #tpu.reduction_kind<arg_min>} : vector<256x4096xf32> -> vector<256xi32>
    %mul3A_177 = arith.constant 4096 : i32
    %mul3A_178 = arith.muli %arg0, %mul3A_177 : i32
    %add3A_179 = vector.broadcast %mul3A_178 : i32 to vector<256xi32>
    %add3A_180 = arith.addi %argmin3A_176, %add3A_179 : vector<256xi32>
    %swap3A_181 = arith.constant 0 : index
    %swap3A_182 = arith.constant 10 : index
    %swap3A_183 = vector.load %arg7[%swap3A_181, %swap3A_182] : memref<256x16xi32, #tpu.memory_space<vmem>>, vector<256x1xi32>
    %swap3A_184 = vector.shape_cast %swap3A_183 : vector<256x1xi32> to vector<256xi32>
    %swap3A_185 = vector.shape_cast %add3A_180 : vector<256xi32> to vector<256x1xi32>
    tpu.vector_store %arg7[%swap3A_181, %swap3A_182], %swap3A_185 {strides = array<i32>} : memref<256x16xi32, #tpu.memory_space<vmem>>, vector<256x1xi32>,
    %broadcast_in_dim3A_186 = vector.shape_cast %argmin3A_176 : vector<256xi32> to vector<256x1xi32>
    %eq3A_187 = vector.broadcast %broadcast_in_dim3A_186 : vector<256x1xi32> to vector<256x4096xi32>
    %eq3A_188 = arith.cmpi eq, %iota3A, %eq3A_187 : vector<256x4096xi32>
    %jit3A_189 = arith.constant 0x7F800000 : f32
    %broadcast_in_dim3A_190 = vector.broadcast %jit3A_189 : f32 to vector<256x4096xf32>
    %select_n3A_191 = arith.select %eq3A_188, %broadcast_in_dim3A_190, %select_n3A_175 : vector<256x4096xi1>, vector<256x4096xf32>
    %argmin3A_192 = tpu.reduce_index %select_n3A_191 {axis = 1 : i32, kind = #tpu.reduction_kind<arg_min>} : vector<256x4096xf32> -> vector<256xi32>
    %mul3A_193 = arith.constant 4096 : i32
    %mul3A_194 = arith.muli %arg0, %mul3A_193 : i32
    %add3A_195 = vector.broadcast %mul3A_194 : i32 to vector<256xi32>
    %add3A_196 = arith.addi %argmin3A_192, %add3A_195 : vector<256xi32>
    %swap3A_197 = arith.constant 0 : index
    %swap3A_198 = arith.constant 11 : index
    %swap3A_199 = vector.load %arg7[%swap3A_197, %swap3A_198] : memref<256x16xi32, #tpu.memory_space<vmem>>, vector<256x1xi32>
    %swap3A_200 = vector.shape_cast %swap3A_199 : vector<256x1xi32> to vector<256xi32>
    %swap3A_201 = vector.shape_cast %add3A_196 : vector<256xi32> to vector<256x1xi32>
    tpu.vector_store %arg7[%swap3A_197, %swap3A_198], %swap3A_201 {strides = array<i32>} : memref<256x16xi32, #tpu.memory_space<vmem>>, vector<256x1xi32>,
    %broadcast_in_dim3A_202 = vector.shape_cast %argmin3A_192 : vector<256xi32> to vector<256x1xi32>
    %eq3A_203 = vector.broadcast %broadcast_in_dim3A_202 : vector<256x1xi32> to vector<256x4096xi32>
    %eq3A_204 = arith.cmpi eq, %iota3A, %eq3A_203 : vector<256x4096xi32>
    %jit3A_205 = arith.constant 0x7F800000 : f32
    %broadcast_in_dim3A_206 = vector.broadcast %jit3A_205 : f32 to vector<256x4096xf32>
    %select_n3A_207 = arith.select %eq3A_204, %broadcast_in_dim3A_206, %select_n3A_191 : vector<256x4096xi1>, vector<256x4096xf32>
    %argmin3A_208 = tpu.reduce_index %select_n3A_207 {axis = 1 : i32, kind = #tpu.reduction_kind<arg_min>} : vector<256x4096xf32> -> vector<256xi32>
    %mul3A_209 = arith.constant 4096 : i32
    %mul3A_210 = arith.muli %arg0, %mul3A_209 : i32
    %add3A_211 = vector.broadcast %mul3A_210 : i32 to vector<256xi32>
    %add3A_212 = arith.addi %argmin3A_208, %add3A_211 : vector<256xi32>
    %swap3A_213 = arith.constant 0 : index
    %swap3A_214 = arith.constant 12 : index
    %swap3A_215 = vector.load %arg7[%swap3A_213, %swap3A_214] : memref<256x16xi32, #tpu.memory_space<vmem>>, vector<256x1xi32>
    %swap3A_216 = vector.shape_cast %swap3A_215 : vector<256x1xi32> to vector<256xi32>
    %swap3A_217 = vector.shape_cast %add3A_212 : vector<256xi32> to vector<256x1xi32>
    tpu.vector_store %arg7[%swap3A_213, %swap3A_214], %swap3A_217 {strides = array<i32>} : memref<256x16xi32, #tpu.memory_space<vmem>>, vector<256x1xi32>,
    %broadcast_in_dim3A_218 = vector.shape_cast %argmin3A_208 : vector<256xi32> to vector<256x1xi32>
    %eq3A_219 = vector.broadcast %broadcast_in_dim3A_218 : vector<256x1xi32> to vector<256x4096xi32>
    %eq3A_220 = arith.cmpi eq, %iota3A, %eq3A_219 : vector<256x4096xi32>
    %jit3A_221 = arith.constant 0x7F800000 : f32
    %broadcast_in_dim3A_222 = vector.broadcast %jit3A_221 : f32 to vector<256x4096xf32>
    %select_n3A_223 = arith.select %eq3A_220, %broadcast_in_dim3A_222, %select_n3A_207 : vector<256x4096xi1>, vector<256x4096xf32>
    %argmin3A_224 = tpu.reduce_index %select_n3A_223 {axis = 1 : i32, kind = #tpu.reduction_kind<arg_min>} : vector<256x4096xf32> -> vector<256xi32>
    %mul3A_225 = arith.constant 4096 : i32
    %mul3A_226 = arith.muli %arg0, %mul3A_225 : i32
    %add3A_227 = vector.broadcast %mul3A_226 : i32 to vector<256xi32>
    %add3A_228 = arith.addi %argmin3A_224, %add3A_227 : vector<256xi32>
    %swap3A_229 = arith.constant 0 : index
    %swap3A_230 = arith.constant 13 : index
    %swap3A_231 = vector.load %arg7[%swap3A_229, %swap3A_230] : memref<256x16xi32, #tpu.memory_space<vmem>>, vector<256x1xi32>
    %swap3A_232 = vector.shape_cast %swap3A_231 : vector<256x1xi32> to vector<256xi32>
    %swap3A_233 = vector.shape_cast %add3A_228 : vector<256xi32> to vector<256x1xi32>
    tpu.vector_store %arg7[%swap3A_229, %swap3A_230], %swap3A_233 {strides = array<i32>} : memref<256x16xi32, #tpu.memory_space<vmem>>, vector<256x1xi32>,
    %broadcast_in_dim3A_234 = vector.shape_cast %argmin3A_224 : vector<256xi32> to vector<256x1xi32>
    %eq3A_235 = vector.broadcast %broadcast_in_dim3A_234 : vector<256x1xi32> to vector<256x4096xi32>
    %eq3A_236 = arith.cmpi eq, %iota3A, %eq3A_235 : vector<256x4096xi32>
    %jit3A_237 = arith.constant 0x7F800000 : f32
    %broadcast_in_dim3A_238 = vector.broadcast %jit3A_237 : f32 to vector<256x4096xf32>
    %select_n3A_239 = arith.select %eq3A_236, %broadcast_in_dim3A_238, %select_n3A_223 : vector<256x4096xi1>, vector<256x4096xf32>
    %argmin3A_240 = tpu.reduce_index %select_n3A_239 {axis = 1 : i32, kind = #tpu.reduction_kind<arg_min>} : vector<256x4096xf32> -> vector<256xi32>
    %mul3A_241 = arith.constant 4096 : i32
    %mul3A_242 = arith.muli %arg0, %mul3A_241 : i32
    %add3A_243 = vector.broadcast %mul3A_242 : i32 to vector<256xi32>
    %add3A_244 = arith.addi %argmin3A_240, %add3A_243 : vector<256xi32>
    %swap3A_245 = arith.constant 0 : index
    %swap3A_246 = arith.constant 14 : index
    %swap3A_247 = vector.load %arg7[%swap3A_245, %swap3A_246] : memref<256x16xi32, #tpu.memory_space<vmem>>, vector<256x1xi32>
    %swap3A_248 = vector.shape_cast %swap3A_247 : vector<256x1xi32> to vector<256xi32>
    %swap3A_249 = vector.shape_cast %add3A_244 : vector<256xi32> to vector<256x1xi32>
    tpu.vector_store %arg7[%swap3A_245, %swap3A_246], %swap3A_249 {strides = array<i32>} : memref<256x16xi32, #tpu.memory_space<vmem>>, vector<256x1xi32>,
    %broadcast_in_dim3A_250 = vector.shape_cast %argmin3A_240 : vector<256xi32> to vector<256x1xi32>
    %eq3A_251 = vector.broadcast %broadcast_in_dim3A_250 : vector<256x1xi32> to vector<256x4096xi32>
    %eq3A_252 = arith.cmpi eq, %iota3A, %eq3A_251 : vector<256x4096xi32>
    %jit3A_253 = arith.constant 0x7F800000 : f32
    %broadcast_in_dim3A_254 = vector.broadcast %jit3A_253 : f32 to vector<256x4096xf32>
    %select_n3A_255 = arith.select %eq3A_252, %broadcast_in_dim3A_254, %select_n3A_239 : vector<256x4096xi1>, vector<256x4096xf32>
    %argmin3A_256 = tpu.reduce_index %select_n3A_255 {axis = 1 : i32, kind = #tpu.reduction_kind<arg_min>} : vector<256x4096xf32> -> vector<256xi32>
    %mul3A_257 = arith.constant 4096 : i32
    %mul3A_258 = arith.muli %arg0, %mul3A_257 : i32
    %add3A_259 = vector.broadcast %mul3A_258 : i32 to vector<256xi32>
    %add3A_260 = arith.addi %argmin3A_256, %add3A_259 : vector<256xi32>
    %swap3A_261 = arith.constant 0 : index
    %swap3A_262 = arith.constant 15 : index
    %swap3A_263 = vector.load %arg7[%swap3A_261, %swap3A_262] : memref<256x16xi32, #tpu.memory_space<vmem>>, vector<256x1xi32>
    %swap3A_264 = vector.shape_cast %swap3A_263 : vector<256x1xi32> to vector<256xi32>
    %swap3A_265 = vector.shape_cast %add3A_260 : vector<256xi32> to vector<256x1xi32>
    tpu.vector_store %arg7[%swap3A_261, %swap3A_262], %swap3A_265 {strides = array<i32>} : memref<256x16xi32, #tpu.memory_space<vmem>>, vector<256x1xi32>,
    %broadcast_in_dim3A_266 = vector.shape_cast %argmin3A_256 : vector<256xi32> to vector<256x1xi32>
    %eq3A_267 = vector.broadcast %broadcast_in_dim3A_266 : vector<256x1xi32> to vector<256x4096xi32>
    %eq3A_268 = arith.cmpi eq, %iota3A, %eq3A_267 : vector<256x4096xi32>
    %jit3A_269 = arith.constant 0x7F800000 : f32
    %broadcast_in_dim3A_270 = vector.broadcast %jit3A_269 : f32 to vector<256x4096xf32>
    %select_n3A_271 = arith.select %eq3A_268, %broadcast_in_dim3A_270, %select_n3A_255 : vector<256x4096xi1>, vector<256x4096xf32>
    %eq3A_272 = arith.constant 0 : i32
    %eq3A_273 = arith.cmpi eq, %arg0, %eq3A_272 : i32
    %eq3A_274 = arith.constant 0 : i32
    %eq3A_275 = arith.cmpi eq, %arg1, %eq3A_274 : i32
    %and3A = arith.andi %eq3A_273, %eq3A_275 : i1
    %convert_element_type3A = arith.extui %and3A : i1 to i32
    %cond3A = arith.constant 0 : i32
    %cond3A_276 = arith.cmpi ne, %convert_element_type3A, %cond3A : i32
    scf.if %cond3A_276 {
      %broadcast_in_dim3A_368 = arith.constant 0.000000e+00 : f32
      %broadcast_in_dim3A_369 = vector.broadcast %broadcast_in_dim3A_368 : f32 to vector<24x16xf32>
      %swap3A_370 = arith.constant 0 : index
      %swap3A_371 = arith.constant 0 : index
      %swap3A_372 = vector.load %arg10[%swap3A_370, %swap3A_371] : memref<24x16xf32, #tpu.memory_space<vmem>>, vector<24x16xf32>
      tpu.vector_store %arg10[%swap3A_370, %swap3A_371], %broadcast_in_dim3A_369 {strides = array<i32>} : memref<24x16xf32, #tpu.memory_space<vmem>>, vector<24x16xf32>,
    } else {
    }
    %eq3A_277 = arith.constant 0x7F800000 : f32
    %eq3A_278 = vector.broadcast %eq3A_277 : f32 to vector<256x4096xf32>
    %eq3A_279 = arith.cmpf oeq, %select_n3A_271, %eq3A_278 : vector<256x4096xf32>
    %jit3A_280 = arith.constant 1.000000e+00 : f32
    %jit3A_281 = arith.constant 0.000000e+00 : f32
    %broadcast_in_dim3A_282 = vector.broadcast %jit3A_280 : f32 to vector<256x4096xf32>
    %broadcast_in_dim3A_283 = vector.broadcast %jit3A_281 : f32 to vector<256x4096xf32>
    %select_n3A_284 = arith.select %eq3A_279, %broadcast_in_dim3A_282, %broadcast_in_dim3A_283 : vector<256x4096xi1>, vector<256x4096xf32>
    %broadcast_in_dim3A_285 = arith.constant 0.000000e+00 : f32
    %broadcast_in_dim3A_286 = vector.broadcast %broadcast_in_dim3A_285 : f32 to vector<256x12xf32>
    %broadcast_in_dim3A_287 = arith.constant 0.000000e+00 : f32
    %broadcast_in_dim3A_288 = vector.broadcast %broadcast_in_dim3A_287 : f32 to vector<4096x12xf32>
    %concatenate3A = tpu.concatenate %get3A_3, %broadcast_in_dim3A_286 in 1 : vector<256x4xf32>, vector<256x12xf32> -> vector<256x16xf32>
    %concatenate3A_289 = tpu.concatenate %get3A_8, %broadcast_in_dim3A_288 in 1 : vector<4096x4xf32>, vector<4096x12xf32> -> vector<4096x16xf32>
    %dot_general3A_290 = arith.constant dense<0.000000e+00> : vector<256x16xf32>
    %dot_general3A_291 = tpu.matmul %select_n3A_284, %concatenate3A_289, %dot_general3A_290 {dimension_numbers = #tpu.dot_dimension_numbers<[1], [0], [0], [1], [0, 0, 1, 1], [], []>, transpose_lhs_hint = false} : vector<256x4096xf32>, vector<4096x16xf32>, vector<256x16xf32> -> vector<256x16xf32>
    %dot_general3A_292 = arith.constant dense<0.000000e+00> : vector<16x16xf32>
    %dot_general3A_293 = tpu.matmul %concatenate3A, %concatenate3A, %dot_general3A_292 {dimension_numbers = #tpu.dot_dimension_numbers<[0], [0], [1], [1], [0, 1, 1, 1], [], []>, transpose_lhs_hint = false} : vector<256x16xf32>, vector<256x16xf32>, vector<16x16xf32> -> vector<16x16xf32>
    %dot_general3A_294 = arith.constant dense<0.000000e+00> : vector<16x16xf32>
    %dot_general3A_295 = tpu.matmul %concatenate3A, %dot_general3A_291, %dot_general3A_294 {dimension_numbers = #tpu.dot_dimension_numbers<[0], [0], [1], [1], [0, 1, 1, 1], [], []>, transpose_lhs_hint = false} : vector<256x16xf32>, vector<256x16xf32>, vector<16x16xf32> -> vector<16x16xf32>
    %dot_general3A_296 = arith.constant dense<0.000000e+00> : vector<16x16xf32>
    %dot_general3A_297 = tpu.matmul %dot_general3A_291, %concatenate3A, %dot_general3A_296 {dimension_numbers = #tpu.dot_dimension_numbers<[0], [0], [1], [1], [0, 1, 1, 1], [], []>, transpose_lhs_hint = false} : vector<256x16xf32>, vector<256x16xf32>, vector<16x16xf32> -> vector<16x16xf32>
    %reduce_sum3A_298 = arith.constant dense<0.000000e+00> : vector<4096xf32>
    %reduce_sum3A_299 = vector.multi_reduction <add>, %select_n3A_284, %reduce_sum3A_298 [0] : vector<256x4096xf32> to vector<4096xf32>
    %broadcast_in_dim3A_300 = vector.shape_cast %reduce_sum3A_299 : vector<4096xf32> to vector<4096x1xf32>
    %mul3A_301 = vector.broadcast %broadcast_in_dim3A_300 : vector<4096x1xf32> to vector<4096x16xf32>
    %mul3A_302 = arith.mulf %mul3A_301, %concatenate3A_289 : vector<4096x16xf32>
    %dot_general3A_303 = arith.constant dense<0.000000e+00> : vector<16x16xf32>
    %dot_general3A_304 = tpu.matmul %concatenate3A_289, %mul3A_302, %dot_general3A_303 {dimension_numbers = #tpu.dot_dimension_numbers<[0], [0], [1], [1], [0, 1, 1, 1], [], []>, transpose_lhs_hint = false} : vector<4096x16xf32>, vector<4096x16xf32>, vector<16x16xf32> -> vector<16x16xf32>
    %mul3A_305 = arith.constant 1.600000e+01 : f32
    %mul3A_306 = vector.broadcast %mul3A_305 : f32 to vector<16x16xf32>
    %mul3A_307 = arith.mulf %mul3A_306, %dot_general3A_293 : vector<16x16xf32>
    %sub3A_308 = arith.subf %mul3A_307, %dot_general3A_295 : vector<16x16xf32>
    %sub3A_309 = arith.subf %sub3A_308, %dot_general3A_297 : vector<16x16xf32>
    %add3A_310 = arith.addf %sub3A_309, %dot_general3A_304 : vector<16x16xf32>
    %reduce_sum3A_311 = arith.constant dense<0.000000e+00> : vector<16xf32>
    %reduce_sum3A_312 = vector.multi_reduction <add>, %concatenate3A, %reduce_sum3A_311 [0] : vector<256x16xf32> to vector<16xf32>
    %mul3A_313 = arith.constant 1.600000e+01 : f32
    %mul3A_314 = vector.broadcast %mul3A_313 : f32 to vector<16xf32>
    %mul3A_315 = arith.mulf %mul3A_314, %reduce_sum3A_312 : vector<16xf32>
    %reduce_sum3A_316 = arith.constant dense<0.000000e+00> : vector<16xf32>
    %reduce_sum3A_317 = vector.multi_reduction <add>, %dot_general3A_291, %reduce_sum3A_316 [0] : vector<256x16xf32> to vector<16xf32>
    %sub3A_318 = arith.subf %mul3A_315, %reduce_sum3A_317 : vector<16xf32>
    %get3A_319 = arith.constant 0 : index
    %get3A_320 = arith.constant 0 : index
    %get3A_321 = vector.load %arg10[%get3A_319, %get3A_320] : memref<24x16xf32, #tpu.memory_space<vmem>>, vector<16x16xf32>
    %add3A_322 = arith.addf %get3A_321, %add3A_310 : vector<16x16xf32>
    %swap3A_323 = arith.constant 0 : index
    %swap3A_324 = arith.constant 0 : index
    %swap3A_325 = vector.load %arg10[%swap3A_323, %swap3A_324] : memref<24x16xf32, #tpu.memory_space<vmem>>, vector<16x16xf32>
    tpu.vector_store %arg10[%swap3A_323, %swap3A_324], %add3A_322 {strides = array<i32>} : memref<24x16xf32, #tpu.memory_space<vmem>>, vector<16x16xf32>,
    %get3A_326 = arith.constant 16 : index
    %get3A_327 = arith.constant 0 : index
    %get3A_328 = vector.load %arg10[%get3A_326, %get3A_327] : memref<24x16xf32, #tpu.memory_space<vmem>>, vector<1x16xf32>
    %broadcast_in_dim3A_329 = vector.shape_cast %sub3A_318 : vector<16xf32> to vector<1x16xf32>
    %add3A_330 = arith.addf %get3A_328, %broadcast_in_dim3A_329 : vector<1x16xf32>
    %swap3A_331 = arith.constant 16 : index
    %swap3A_332 = arith.constant 0 : index
    %swap3A_333 = vector.load %arg10[%swap3A_331, %swap3A_332] : memref<24x16xf32, #tpu.memory_space<vmem>>, vector<1x16xf32>
    tpu.vector_store %arg10[%swap3A_331, %swap3A_332], %add3A_330 {strides = array<i32>} : memref<24x16xf32, #tpu.memory_space<vmem>>, vector<1x16xf32>,
    %get3A_334 = arith.constant 0 : index
    %get3A_335 = arith.constant 0 : index
    %get3A_336 = arith.constant 0 : index
    %get3A_337 = vector.load %arg4[%get3A_334, %get3A_335, %get3A_336] : memref<1x256x32xf32, #tpu.memory_space<vmem>>, vector<1x256x32xf32>
    %get3A_338 = vector.shape_cast %get3A_337 : vector<1x256x32xf32> to vector<256x32xf32>
    %get3A_339 = arith.constant 0 : index
    %get3A_340 = arith.constant 0 : index
    %get3A_341 = vector.load %arg5[%get3A_339, %get3A_340] : memref<96x32xf32, #tpu.memory_space<vmem>>, vector<96x32xf32>
    %dot_general3A_342 = arith.constant dense<0.000000e+00> : vector<256x96xf32>
    %dot_general3A_343 = tpu.matmul %get3A_338, %get3A_341, %dot_general3A_342 {dimension_numbers = #tpu.dot_dimension_numbers<[1], [1], [0], [0], [0, 0, 1, 0], [], []>, transpose_lhs_hint = false} : vector<256x32xf32>, vector<96x32xf32>, vector<256x96xf32> -> vector<256x96xf32>
    %get3A_344 = arith.constant 0 : index
    %get3A_345 = arith.constant 0 : index
    %get3A_346 = vector.load %arg6[%get3A_344, %get3A_345] : memref<8x96xf32, #tpu.memory_space<vmem>>, vector<1x96xf32>
    %add3A_347 = vector.broadcast %get3A_346 : vector<1x96xf32> to vector<256x96xf32>
    %add3A_348 = arith.addf %dot_general3A_343, %add3A_347 : vector<256x96xf32>
    %swap3A_349 = arith.constant 0 : index
    %swap3A_350 = arith.constant 0 : index
    %swap3A_351 = vector.load %arg8[%swap3A_349, %swap3A_350] : memref<256x128xf32, #tpu.memory_space<vmem>>, vector<256x4xf32>
    tpu.vector_store %arg8[%swap3A_349, %swap3A_350], %get3A_3 {strides = array<i32>} : memref<256x128xf32, #tpu.memory_space<vmem>>, vector<256x4xf32>,
    %swap3A_352 = arith.constant 0 : index
    %swap3A_353 = arith.constant 4 : index
    %swap3A_354 = vector.load %arg8[%swap3A_352, %swap3A_353] : memref<256x128xf32, #tpu.memory_space<vmem>>, vector<256x12xf32>
    tpu.vector_store %arg8[%swap3A_352, %swap3A_353], %broadcast_in_dim3A_286 {strides = array<i32>} : memref<256x128xf32, #tpu.memory_space<vmem>>, vector<256x12xf32>,
    %slice3A_355 = vector.extract_strided_slice %add3A_348 {offsets = [0, 32], sizes = [256, 64], strides = [1, 1]} : vector<256x96xf32> to vector<256x64xf32>
    %swap3A_356 = arith.constant 0 : index
    %swap3A_357 = arith.constant 16 : index
    %swap3A_358 = vector.load %arg8[%swap3A_356, %swap3A_357] : memref<256x128xf32, #tpu.memory_space<vmem>>, vector<256x64xf32>
    tpu.vector_store %arg8[%swap3A_356, %swap3A_357], %slice3A_355 {strides = array<i32>} : memref<256x128xf32, #tpu.memory_space<vmem>>, vector<256x64xf32>,
    %broadcast_in_dim3A_359 = arith.constant 0.000000e+00 : f32
    %broadcast_in_dim3A_360 = vector.broadcast %broadcast_in_dim3A_359 : f32 to vector<256x48xf32>
    %swap3A_361 = arith.constant 0 : index
    %swap3A_362 = arith.constant 80 : index
    %swap3A_363 = vector.load %arg8[%swap3A_361, %swap3A_362] : memref<256x128xf32, #tpu.memory_space<vmem>>, vector<256x48xf32>
    tpu.vector_store %arg8[%swap3A_361, %swap3A_362], %broadcast_in_dim3A_360 {strides = array<i32>} : memref<256x128xf32, #tpu.memory_space<vmem>>, vector<256x48xf32>,
    %slice3A_364 = vector.extract_strided_slice %add3A_348 {offsets = [0, 0], sizes = [256, 32], strides = [1, 1]} : vector<256x96xf32> to vector<256x32xf32>
    %swap3A_365 = arith.constant 0 : index
    %swap3A_366 = arith.constant 0 : index
    %swap3A_367 = vector.load %arg9[%swap3A_365, %swap3A_366] : memref<256x32xf32, #tpu.memory_space<vmem>>, vector<256x32xf32>
    tpu.vector_store %arg9[%swap3A_365, %swap3A_366], %slice3A_364 {strides = array<i32>} : memref<256x32xf32, #tpu.memory_space<vmem>>, vector<256x32xf32>,
    return
  }
  func.func @transform_0(%arg0: i32, %arg1: i32) -> (i32, i32, i32) {
    %c0_i32 = arith.constant 0 : i32
    %c0_i32_0 = arith.constant 0 : i32
    return %arg0, %arg1, %c0_i32 : i32, i32, i32
  }
  func.func @transform_1(%arg0: i32, %arg1: i32) -> (i32, i32, i32) {
    %c0_i32 = arith.constant 0 : i32
    %c0_i32_0 = arith.constant 0 : i32
    %c0_i32_1 = arith.constant 0 : i32
    return %arg0, %c0_i32, %c0_i32_0 : i32, i32, i32
  }
  func.func @transform_2(%arg0: i32, %arg1: i32) -> (i32, i32, i32) {
    %c0_i32 = arith.constant 0 : i32
    %c0_i32_0 = arith.constant 0 : i32
    return %arg0, %arg1, %c0_i32 : i32, i32, i32
  }
  func.func @transform_3(%arg0: i32, %arg1: i32) -> (i32, i32) {
    %c0_i32 = arith.constant 0 : i32
    %c0_i32_0 = arith.constant 0 : i32
    %c0_i32_1 = arith.constant 0 : i32
    return %c0_i32, %c0_i32_0 : i32, i32
  }
  func.func @transform_4(%arg0: i32, %arg1: i32) -> (i32, i32) {
    %c0_i32 = arith.constant 0 : i32
    %c0_i32_0 = arith.constant 0 : i32
    %c0_i32_1 = arith.constant 0 : i32
    return %c0_i32, %c0_i32_0 : i32, i32
  }
  func.func @transform_5(%arg0: i32, %arg1: i32) -> (i32, i32) {
    %mul3A = arith.constant 16 : i32
    %mul3A_0 = arith.muli %arg0, %mul3A : i32
    %add3A = arith.addi %mul3A_0, %arg1 : i32
    %c0_i32 = arith.constant 0 : i32
    %c0_i32_1 = arith.constant 0 : i32
    return %add3A, %c0_i32 : i32, i32
  }
  func.func @transform_6(%arg0: i32, %arg1: i32) -> (i32, i32) {
    %mul3A = arith.constant 16 : i32
    %mul3A_0 = arith.muli %arg0, %mul3A : i32
    %add3A = arith.addi %mul3A_0, %arg1 : i32
    %c0_i32 = arith.constant 0 : i32
    %c0_i32_1 = arith.constant 0 : i32
    return %add3A, %c0_i32 : i32, i32
  }
  func.func @transform_7(%arg0: i32, %arg1: i32) -> (i32, i32) {
    %mul3A = arith.constant 16 : i32
    %mul3A_0 = arith.muli %arg0, %mul3A : i32
    %add3A = arith.addi %mul3A_0, %arg1 : i32
    %c0_i32 = arith.constant 0 : i32
    %c0_i32_1 = arith.constant 0 : i32
    return %add3A, %c0_i32 : i32, i32
  }
  func.func @transform_8(%arg0: i32, %arg1: i32) -> (i32, i32) {
    %c0_i32 = arith.constant 0 : i32
    %c0_i32_0 = arith.constant 0 : i32
    %c0_i32_1 = arith.constant 0 : i32
    return %c0_i32, %c0_i32_0 : i32, i32
  }
}

module attributes {stable_mosaic.version = 14 : i64} {
  func.func @_attn_body(%arg0: i32, %arg1: memref<8192x128xf32, #tpu.memory_space<vmem>>, %arg2: memref<512x128xf32, #tpu.memory_space<vmem>>, %arg3: memref<512x32xf32, #tpu.memory_space<vmem>>, %arg4: memref<16x16xf32, #tpu.memory_space<vmem>>, %arg5: memref<16x32xf32, #tpu.memory_space<vmem>>, %arg6: memref<8x128xf32, #tpu.memory_space<vmem>>, %arg7: memref<512x32xf32, #tpu.memory_space<vmem>>) attributes {dimension_semantics = [#tpu.dimension_semantics<arbitrary>], iteration_bounds = array<i64: 32>, scalar_prefetch = 0 : i64, scratch_operands = 0 : i64, tpu.core_type = #tpu.core_type<tc>, window_params = [{transform_indices = @transform_0, window_bounds = array<i64: 8192, 128>}, {transform_indices = @transform_1, window_bounds = array<i64: 512, 128>}, {transform_indices = @transform_2, window_bounds = array<i64: 512, 32>}, {pipeline_mode = #tpu.pipeline_mode<synchronous>, transform_indices = @transform_3, window_bounds = array<i64: 16, 16>}, {pipeline_mode = #tpu.pipeline_mode<synchronous>, transform_indices = @transform_4, window_bounds = array<i64: 16, 32>}, {pipeline_mode = #tpu.pipeline_mode<synchronous>, transform_indices = @transform_5, window_bounds = array<i64: 8, 128>}, {transform_indices = @transform_6, window_bounds = array<i64: 512, 32>}]} {
    %get3A = arith.constant 0 : index
    %get3A_0 = arith.constant 0 : index
    %get3A_1 = vector.load %arg1[%get3A, %get3A_0] : memref<8192x128xf32, #tpu.memory_space<vmem>>, vector<8192x128xf32>
    %slice3A = vector.extract_strided_slice %get3A_1 {offsets = [0, 0], sizes = [8192, 16], strides = [1, 1]} : vector<8192x128xf32> to vector<8192x16xf32>
    %get3A_2 = arith.constant 0 : index
    %get3A_3 = arith.constant 0 : index
    %get3A_4 = vector.load %arg2[%get3A_2, %get3A_3] : memref<512x128xf32, #tpu.memory_space<vmem>>, vector<512x16xf32>
    %broadcast_in_dim3A = vector.shape_cast %get3A_4 : vector<512x16xf32> to vector<512x1x16xf32>
    %broadcast_in_dim3A_5 = vector.shape_cast %broadcast_in_dim3A : vector<512x1x16xf32> to vector<512x1x16xf32>
    %broadcast_in_dim3A_6 = vector.broadcast %broadcast_in_dim3A_5 : vector<512x1x16xf32> to vector<512x16x16xf32>
    %reshape3A = vector.shape_cast %broadcast_in_dim3A_6 : vector<512x16x16xf32> to vector<8192x16xf32>
    %sub3A = arith.subf %reshape3A, %slice3A : vector<8192x16xf32>
    %get3A_7 = arith.constant 0 : index
    %get3A_8 = arith.constant 0 : index
    %get3A_9 = vector.load %arg4[%get3A_7, %get3A_8] : memref<16x16xf32, #tpu.memory_space<vmem>>, vector<16x16xf32>
    %dot_general3A = arith.constant dense<0.000000e+00> : vector<8192x16xf32>
    %dot_general3A_10 = tpu.matmul %sub3A, %get3A_9, %dot_general3A {dimension_numbers = #tpu.dot_dimension_numbers<[1], [0], [0], [1], [0, 0, 1, 1], [], []>, transpose_lhs_hint = false} : vector<8192x16xf32>, vector<16x16xf32>, vector<8192x16xf32> -> vector<8192x16xf32>
    %get3A_11 = arith.constant 0 : index
    %get3A_12 = arith.constant 0 : index
    %get3A_13 = vector.load %arg6[%get3A_11, %get3A_12] : memref<8x128xf32, #tpu.memory_space<vmem>>, vector<1x16xf32>
    %add3A = vector.broadcast %get3A_13 : vector<1x16xf32> to vector<8192x16xf32>
    %add3A_14 = arith.addf %dot_general3A_10, %add3A : vector<8192x16xf32>
    %max3A = arith.constant 0.000000e+00 : f32
    %max3A_15 = vector.broadcast %max3A : f32 to vector<8192x16xf32>
    %max3A_16 = arith.maximumf %add3A_14, %max3A_15 : vector<8192x16xf32>
    %get3A_17 = arith.constant 0 : index
    %get3A_18 = arith.constant 0 : index
    %get3A_19 = vector.load %arg5[%get3A_17, %get3A_18] : memref<16x32xf32, #tpu.memory_space<vmem>>, vector<16x32xf32>
    %dot_general3A_20 = arith.constant dense<0.000000e+00> : vector<8192x32xf32>
    %dot_general3A_21 = tpu.matmul %max3A_16, %get3A_19, %dot_general3A_20 {dimension_numbers = #tpu.dot_dimension_numbers<[1], [0], [0], [1], [0, 0, 1, 1], [], []>, transpose_lhs_hint = false} : vector<8192x16xf32>, vector<16x32xf32>, vector<8192x32xf32> -> vector<8192x32xf32>
    %get3A_22 = arith.constant 1 : index
    %get3A_23 = arith.constant 0 : index
    %get3A_24 = vector.load %arg6[%get3A_22, %get3A_23] : memref<8x128xf32, #tpu.memory_space<vmem>>, vector<1x32xf32>
    %add3A_25 = vector.broadcast %get3A_24 : vector<1x32xf32> to vector<8192x32xf32>
    %add3A_26 = arith.addf %dot_general3A_21, %add3A_25 : vector<8192x32xf32>
    %reshape3A_27 = vector.shape_cast %add3A_26 : vector<8192x32xf32> to vector<512x16x32xf32>
    %slice3A_28 = vector.extract_strided_slice %get3A_1 {offsets = [0, 16], sizes = [8192, 32], strides = [1, 1]} : vector<8192x128xf32> to vector<8192x32xf32>
    %reshape3A_29 = vector.shape_cast %slice3A_28 : vector<8192x32xf32> to vector<512x16x32xf32>
    %slice3A_30 = vector.extract_strided_slice %get3A_1 {offsets = [0, 48], sizes = [8192, 32], strides = [1, 1]} : vector<8192x128xf32> to vector<8192x32xf32>
    %reshape3A_31 = vector.shape_cast %slice3A_30 : vector<8192x32xf32> to vector<512x16x32xf32>
    %get3A_32 = arith.constant 0 : index
    %get3A_33 = arith.constant 0 : index
    %get3A_34 = vector.load %arg3[%get3A_32, %get3A_33] : memref<512x32xf32, #tpu.memory_space<vmem>>, vector<512x32xf32>
    %broadcast_in_dim3A_35 = vector.shape_cast %get3A_34 : vector<512x32xf32> to vector<512x1x32xf32>
    %sub3A_36 = vector.broadcast %broadcast_in_dim3A_35 : vector<512x1x32xf32> to vector<512x16x32xf32>
    %sub3A_37 = arith.subf %sub3A_36, %reshape3A_29 : vector<512x16x32xf32>
    %add3A_38 = arith.addf %sub3A_37, %reshape3A_27 : vector<512x16x32xf32>
    %reduce_sum3A = arith.constant dense<0.000000e+00> : vector<512x16xf32>
    %reduce_sum3A_39 = vector.multi_reduction <add>, %add3A_38, %reduce_sum3A [2] : vector<512x16x32xf32> to vector<512x16xf32>
    %broadcast_in_dim3A_40 = vector.shape_cast %reduce_sum3A_39 : vector<512x16xf32> to vector<512x16x1xf32>
    %div3A = arith.constant 3.200000e+01 : f32
    %div3A_41 = vector.broadcast %div3A : f32 to vector<512x16x1xf32>
    %div3A_42 = arith.divf %broadcast_in_dim3A_40, %div3A_41 : vector<512x16x1xf32>
    %mul3A = arith.mulf %add3A_38, %add3A_38 : vector<512x16x32xf32>
    %reduce_sum3A_43 = arith.constant dense<0.000000e+00> : vector<512x16xf32>
    %reduce_sum3A_44 = vector.multi_reduction <add>, %mul3A, %reduce_sum3A_43 [2] : vector<512x16x32xf32> to vector<512x16xf32>
    %broadcast_in_dim3A_45 = vector.shape_cast %reduce_sum3A_44 : vector<512x16xf32> to vector<512x16x1xf32>
    %div3A_46 = arith.constant 3.200000e+01 : f32
    %div3A_47 = vector.broadcast %div3A_46 : f32 to vector<512x16x1xf32>
    %div3A_48 = arith.divf %broadcast_in_dim3A_45, %div3A_47 : vector<512x16x1xf32>
    %mul3A_49 = arith.mulf %div3A_42, %div3A_42 : vector<512x16x1xf32>
    %sub3A_50 = arith.subf %div3A_48, %mul3A_49 : vector<512x16x1xf32>
    %get3A_51 = arith.constant 2 : index
    %get3A_52 = arith.constant 0 : index
    %get3A_53 = vector.load %arg6[%get3A_51, %get3A_52] : memref<8x128xf32, #tpu.memory_space<vmem>>, vector<1x32xf32>
    %reshape3A_54 = vector.shape_cast %get3A_53 : vector<1x32xf32> to vector<1x1x32xf32>
    %get3A_55 = arith.constant 3 : index
    %get3A_56 = arith.constant 0 : index
    %get3A_57 = vector.load %arg6[%get3A_55, %get3A_56] : memref<8x128xf32, #tpu.memory_space<vmem>>, vector<1x32xf32>
    %reshape3A_58 = vector.shape_cast %get3A_57 : vector<1x32xf32> to vector<1x1x32xf32>
    %sub3A_59 = vector.broadcast %div3A_42 : vector<512x16x1xf32> to vector<512x16x32xf32>
    %sub3A_60 = arith.subf %add3A_38, %sub3A_59 : vector<512x16x32xf32>
    %add3A_61 = arith.constant 9.99999974E-6 : f32
    %add3A_62 = vector.broadcast %add3A_61 : f32 to vector<512x16x1xf32>
    %add3A_63 = arith.addf %sub3A_50, %add3A_62 : vector<512x16x1xf32>
    %sqrt3A = math.sqrt %add3A_63 : vector<512x16x1xf32>
    %div3A_64 = vector.broadcast %sqrt3A : vector<512x16x1xf32> to vector<512x16x32xf32>
    %div3A_65 = arith.divf %sub3A_60, %div3A_64 : vector<512x16x32xf32>
    %mul3A_66 = vector.broadcast %reshape3A_54 : vector<1x1x32xf32> to vector<512x16x32xf32>
    %mul3A_67 = arith.mulf %div3A_65, %mul3A_66 : vector<512x16x32xf32>
    %add3A_68 = vector.broadcast %reshape3A_58 : vector<1x1x32xf32> to vector<512x16x32xf32>
    %add3A_69 = arith.addf %mul3A_67, %add3A_68 : vector<512x16x32xf32>
    %mul3A_70 = arith.constant 0.176776692 : f32
    %mul3A_71 = vector.broadcast %mul3A_70 : f32 to vector<512x16x32xf32>
    %mul3A_72 = arith.mulf %add3A_69, %mul3A_71 : vector<512x16x32xf32>
    %reduce_max3A = arith.constant dense<0xFF800000> : vector<512x32xf32>
    %reduce_max3A_73 = vector.multi_reduction <maximumf>, %mul3A_72, %reduce_max3A [1] : vector<512x16x32xf32> to vector<512x32xf32>
    %broadcast_in_dim3A_74 = vector.shape_cast %reduce_max3A_73 : vector<512x32xf32> to vector<512x1x32xf32>
    %sub3A_75 = vector.broadcast %broadcast_in_dim3A_74 : vector<512x1x32xf32> to vector<512x16x32xf32>
    %sub3A_76 = arith.subf %mul3A_72, %sub3A_75 : vector<512x16x32xf32>
    %exp3A = math.exp %sub3A_76 : vector<512x16x32xf32>
    %reduce_sum3A_77 = arith.constant dense<0.000000e+00> : vector<512x32xf32>
    %reduce_sum3A_78 = vector.multi_reduction <add>, %exp3A, %reduce_sum3A_77 [1] : vector<512x16x32xf32> to vector<512x32xf32>
    %broadcast_in_dim3A_79 = vector.shape_cast %reduce_sum3A_78 : vector<512x32xf32> to vector<512x1x32xf32>
    %div3A_80 = vector.broadcast %broadcast_in_dim3A_79 : vector<512x1x32xf32> to vector<512x16x32xf32>
    %div3A_81 = arith.divf %exp3A, %div3A_80 : vector<512x16x32xf32>
    %add3A_82 = arith.addf %reshape3A_31, %reshape3A_27 : vector<512x16x32xf32>
    %mul3A_83 = arith.mulf %div3A_81, %add3A_82 : vector<512x16x32xf32>
    %reduce_sum3A_84 = arith.constant dense<0.000000e+00> : vector<512x32xf32>
    %reduce_sum3A_85 = vector.multi_reduction <add>, %mul3A_83, %reduce_sum3A_84 [1] : vector<512x16x32xf32> to vector<512x32xf32>
    %swap3A = arith.constant 0 : index
    %swap3A_86 = arith.constant 0 : index
    %swap3A_87 = vector.load %arg7[%swap3A, %swap3A_86] : memref<512x32xf32, #tpu.memory_space<vmem>>, vector<512x32xf32>
    tpu.vector_store %arg7[%swap3A, %swap3A_86], %reduce_sum3A_85 {strides = array<i32>} : memref<512x32xf32, #tpu.memory_space<vmem>>, vector<512x32xf32>,
    return
  }
  func.func @transform_0(%arg0: i32) -> (i32, i32) {
    %c0_i32 = arith.constant 0 : i32
    %c0_i32_0 = arith.constant 0 : i32
    return %arg0, %c0_i32 : i32, i32
  }
  func.func @transform_1(%arg0: i32) -> (i32, i32) {
    %c0_i32 = arith.constant 0 : i32
    %c0_i32_0 = arith.constant 0 : i32
    return %arg0, %c0_i32 : i32, i32
  }
  func.func @transform_2(%arg0: i32) -> (i32, i32) {
    %c0_i32 = arith.constant 0 : i32
    %c0_i32_0 = arith.constant 0 : i32
    return %arg0, %c0_i32 : i32, i32
  }
  func.func @transform_3(%arg0: i32) -> (i32, i32) {
    %c0_i32 = arith.constant 0 : i32
    %c0_i32_0 = arith.constant 0 : i32
    %c0_i32_1 = arith.constant 0 : i32
    return %c0_i32, %c0_i32_0 : i32, i32
  }
  func.func @transform_4(%arg0: i32) -> (i32, i32) {
    %c0_i32 = arith.constant 0 : i32
    %c0_i32_0 = arith.constant 0 : i32
    %c0_i32_1 = arith.constant 0 : i32
    return %c0_i32, %c0_i32_0 : i32, i32
  }
  func.func @transform_5(%arg0: i32) -> (i32, i32) {
    %c0_i32 = arith.constant 0 : i32
    %c0_i32_0 = arith.constant 0 : i32
    %c0_i32_1 = arith.constant 0 : i32
    return %c0_i32, %c0_i32_0 : i32, i32
  }
  func.func @transform_6(%arg0: i32) -> (i32, i32) {
    %c0_i32 = arith.constant 0 : i32
    %c0_i32_0 = arith.constant 0 : i32
    return %arg0, %c0_i32 : i32, i32
  }
}

</mosaic_0001>

<sc_bundles>
// kernel: kernel.5.cloned.1.call-start
scs
__scs_entry_jumppad:
0x0: {  	(pc) =	sbr.rel $0x88, $3  }
0x1: {  	(tag) =	ssettag $0x0;
	lr =	simm.s32 $0x1  }
0x2: {  	[smem:$0x3F95] =	sst lr;
	_ =	strace $0xD0000000  }
0x3: {  	_ = 	snop  }
0x4: {  	_ = 	snop  }
0x5: {  	_ = 	snop  }
0x6: {  	_ = 	snop  }
0x7: {  	_ = 	snop  }
__scs_overlays_trampoline_lowered:
0x8: {  	[smem:$0x3FA4] =	sst s0  }
0x9: {  	[smem:$0x3FA5] =	sst s1  }
0xa: {  	[smem:$0x3FA6] =	sst s2  }
0xb: {  	[smem:$0x3FA7] =	sst s3  }
0xc: {  	[smem:$0x3FA8] =	sst s4  }
0xd: {  	[smem:$0x3FA9] =	sst s5  }
0xe: {  	[smem:$0x3FAA] =	sst s6  }
0xf: {  	[smem:$0x3FAB] =	sst s7  }
0x10: {  	[smem:$0x3FAC] =	sst s8  }
0x11: {  	[smem:$0x3FAD] =	sst s9;
	s0 =	simm.s32 @!p0 $0x0  }
0x12: {  	s1 =	sld [smem:$0x3F93];
	s0 =	simm.s32 @p0 $0x1  }
0x13: {  	[smem:$0x3FAE] =	sst s0;
	s0 =	simm.s32 @!p1 $0x0  }
0x14: {  	s2 =	sld [smem:$0x3F92];
	s0 =	simm.s32 @p1 $0x1  }
0x15: {  	[smem:$0x3FAF] =	sst s0;
	s0 =	simm.s32 @!p2 $0x0  }
0x16: {  	s3 =	sld [smem:$0x3FDB];
	s0 =	simm.s32 @p2 $0x1  }
0x17: {  	s4 =	simm.s32 $0x1BF5;
	[smem:$0x3FB1] =	sst s0  }
0x18: {  	s0 =	sld [smem:$0x3F94];
	_ =	swait.ge [sflag:s4], $0x0  }
0x19: {  	s7 =	sld [smem:$0x3F95]  }
0x1a: {  	s8 =	sadd.s32 $0xFFFFE003, lr  }
0x1b: {  	s9 =	sadd.s32 $0xFFFFFEF7, lr;
	s5 =	simm.s32 $0xFFFFFFFF;
	p2 =	slt.u32 s8, $0xFFFFF086  }
0x1c: {  	p1 =	slt.u32 s9, $0xF7A;
	s5 =	simm.s32 @!p2 $0x0  }
0x1d: {  	s5 =	simm.s32 @p1 $0x1;
	p0 =	seq.s32 s7, s2  }
0x1e: {  	s7 =	smul.u32 @!p0 $0xF7A, s2;
	p2 =	seq.s32 @!p0 s5, $0x0  }
0x1f: {  	s9 =	smul.u32 $0xF7A, s1;
	s8 =	simm.s32 @!p0 $0x1BF5;
	p2 =	por !p2, p0  }
0x20: {  	[sflag:s8] =	ssyncset.s32 @!p0 $0xFFFFF086;
	s6 =	sadd.s32 @!p0 s3, s7;
	s7 =	simm.s32 @!p0 $0x108  }
0x21: {  	s3 =	sadd.s32 s3, s9;
	s6 =	sadd.s32 @!p0 $0x88, s6;
	s7 =	simm.s32 @p2 $0x1082  }
0x22: {  	[simem:s7], [sflag:s8] =	dma.local @!p0 [hbm:s6], $0xF7A  }
0x23: {  	s9 =	sor.u32 $0xD0000000, s2;
	s6 =	simm.s32 $0x108;
	_ =	swait.ge @!p0 [sflag:s8], $0x0  }
0x24: {  	s3 =	sadd.s32 $0x88, s3;
	s6 =	simm.s32 @!p1 $0x1082;
	[sflag:s4] =	ssyncset.s32 $0xFFFFF086  }
0x25: {  	[simem:s6], [sflag:s4] =	dma.local [hbm:s3], $0xF7A  }
0x26: {  	[smem:$0x3F95] =	sst s1;
	(tag) =	ssettag s2;
	_ =	strace s9  }
0x27: {  	s1 =	sld [smem:$0x3FA5]  }
0x28: {  	s2 =	sld [smem:$0x3FA6]  }
0x29: {  	s4 =	sld [smem:$0x3FA8]  }
0x2a: {  	p0 =	seq.s32 s5, $0x0;
	s5 =	sld [smem:$0x3FA9]  }
0x2b: {  	s6 =	sld [smem:$0x3FAA]  }
0x2c: {  	s7 =	sld [smem:$0x3FAB]  }
0x2d: {  	s3 =	simm.s32 $0x108;
	s8 =	sld [smem:$0x3FAC]  }
0x2e: {  	s3 =	simm.s32 @!p0 $0x1082;
	s9 =	sld [smem:$0x3FAD]  }
0x2f: {  	lr =	sadd.s32 s0, s3;
	s0 =	sld [smem:$0x3FA4]  }
0x30: {  	s3 =	sld [smem:$0x3FA7]  }
0x31: {  	[smem:$0x3FB0] =	sst s10  }
0x32: {  	s10 =	sld [smem:$0x3FAE];
	_ =	sdelay $0x3  }
0x33: {  	p0 =	seq.s32 s10, $0x1;
	s10 =	sld [smem:$0x3FB0];
	_ =	sdelay $0x3  }
0x34: {  	[smem:$0x3FB0] =	sst s10  }
0x35: {  	s10 =	sld [smem:$0x3FAF];
	_ =	sdelay $0x3  }
0x36: {  	p1 =	seq.s32 s10, $0x1;
	s10 =	sld [smem:$0x3FB0];
	_ =	sdelay $0x3  }
0x37: {  	[smem:$0x3FB0] =	sst s10  }
0x38: {  	s10 =	sld [smem:$0x3FB1]  }
0x39: {  	_ = 	snop;
	(pc) =	sbr.ind lr, $3  }
0x3a: {  	_ = 	snop  }
0x3b: {  	_ = 	snop  }
0x3c: {  	p2 =	seq.s32 s10, $0x1;
	s10 =	sld [smem:$0x3FB0]  }
0x3d: {  	_ =	shalt  }
0x3e: {  	_ =	shalt  }
0x3f: {  	_ =	shalt  }
0x40: {  	_ =	shalt  }
0x41: {  	_ =	shalt  }
0x42: {  	_ =	shalt  }
0x43: {  	_ =	shalt  }
0x44: {  	_ =	shalt  }
0x45: {  	_ =	shalt  }
0x46: {  	_ =	shalt  }
0x47: {  	_ =	shalt  }
0x48: {  	_ =	shalt  }
0x49: {  	_ =	shalt  }
0x4a: {  	_ =	shalt  }
0x4b: {  	_ =	shalt  }
0x4c: {  	_ =	shalt  }
0x4d: {  	_ =	shalt  }
0x4e: {  	_ =	shalt  }
0x4f: {  	_ =	shalt  }
0x50: {  	_ =	shalt  }
0x51: {  	_ =	shalt  }
0x52: {  	_ =	shalt  }
0x53: {  	_ =	shalt  }
0x54: {  	_ =	shalt  }
0x55: {  	_ =	shalt  }
0x56: {  	_ =	shalt  }
0x57: {  	_ =	shalt  }
0x58: {  	_ =	shalt  }
0x59: {  	_ =	shalt  }
0x5a: {  	_ =	shalt  }
0x5b: {  	_ =	shalt  }
0x5c: {  	_ =	shalt  }
0x5d: {  	_ =	shalt  }
0x5e: {  	_ =	shalt  }
0x5f: {  	_ =	shalt  }
0x60: {  	_ =	shalt  }
0x61: {  	_ =	shalt  }
0x62: {  	_ =	shalt  }
0x63: {  	_ =	shalt  }
0x64: {  	_ =	shalt  }
0x65: {  	_ =	shalt  }
0x66: {  	_ =	shalt  }
0x67: {  	_ =	shalt  }
0x68: {  	_ =	shalt  }
0x69: {  	_ =	shalt  }
0x6a: {  	_ =	shalt  }
0x6b: {  	_ =	shalt  }
0x6c: {  	_ =	shalt  }
0x6d: {  	_ =	shalt  }
0x6e: {  	_ =	shalt  }
0x6f: {  	_ =	shalt  }
0x70: {  	_ =	shalt  }
0x71: {  	_ =	shalt  }
0x72: {  	_ =	shalt  }
0x73: {  	_ =	shalt  }
0x74: {  	_ =	shalt  }
0x75: {  	_ =	shalt  }
0x76: {  	_ =	shalt  }
0x77: {  	_ =	shalt  }
0x78: {  	_ =	shalt  }
0x79: {  	_ =	shalt  }
0x7a: {  	_ =	shalt  }
0x7b: {  	_ =	shalt  }
0x7c: {  	_ =	shalt  }
0x7d: {  	_ =	shalt  }
0x7e: {  	_ =	shalt  }
0x7f: {  	_ =	shalt  }
0x80: {  	_ =	shalt  }
0x81: {  	_ =	shalt  }
0x82: {  	_ =	shalt  }
0x83: {  	_ =	shalt  }
0x84: {  	_ =	shalt  }
0x85: {  	_ =	shalt  }
0x86: {  	_ =	shalt  }
0x87: {  	_ =	shalt  }
.Lfunc_end0:
.L_simem_size_0:
called_computation_lowered:
.L_overlay_start_0:
0x88: {  	s2 =	sld [smem:$0x3FD9]  }
0x89: {  	s3 =	sld [smem:$0x3FFE];
	_ =	sdelay $0x1  }
0x8a: {  	s1 =	srdreg.scid  }
0x8b: {  	s0 =	sand.u32 $0x1, s1  }
0x8c: {  	s17 =	sshll.u32 s0, $0xA;
	s2 =	sadd.s32 s3, s2  }
0x8d: {  	s2 =	sadd.s32 s2, s17  }
0x8e: {  	[smem:$0x3FBC] =	sst s2  }
0x8f: {  	_ = 	snop  }
0x90: {  	s2 =	sld [smem:$0x3FD0];
	(tm) =	ssettm $0x1  }
0x91: {  	s18 =	sld [smem:$0x3FFB];
	_ =	sdelay $0x3  }
0x92: {  	_ =	strace s18  }
0x93: {  	s3 =	sld [smem:$0x3FFC];
	_ =	sdelay $0x3  }
0x94: {  	_ =	strace s3  }
0x95: {  	s3 =	sld [smem:$0x3FFD];
	_ =	sdelay $0x3  }
0x96: {  	_ =	strace s3  }
0x97: {  	_ =	strace $0x8FFFFFFF  }
0x98: {  	s19 =	sld [smem:$0x3FDB];
	_ =	sdelay $0x1  }
0x99: {  	s4 =	simm.s32 $_scs_section_size  }
0x9a: {  	s5 =	simm.s32 $_size__tile_overlayer_lowered;
	s6 =	simm.s32 $_tile_overlayer_lowered  }
0x9b: {  	s22 =	simm.s32 $0x1BFF;
	s21 =	sshll.u32 s6, $0x1;
	s3 =	sadd.s32 s4, s19  }
0x9c: {  	s7 =	simm.s32 $0x0;
	s20 =	sshll.u32 s5, $0x1;
	s5 =	sadd.s32 s21, s3  }
0x9d: {  	[timem:s7], [sflag:s22] =	dma.local [hbm:s5], s20  }
0x9e: {  	_ =	swait.ge [sflag:s22], s20  }
0x9f: {  	s4 =	ssub.s32 $0x0, s20;
	[sflag:s22] =	ssyncset.done $0x0  }
0xa0: {  	[sflag:s22] =	ssyncadd.s32 s4;
	_ =	sdelay $0x1  }
0xa1: {  	s23 =	simm.s32 $0x1B8B  }
0xa2: {  	_ =	swait.ge [sflag:s23], $0x1  }
0xa3: {  	[sflag:s23] =	ssyncset.done $0x0  }
0xa4: {  	s25 =	simm.s32 $0x1B8E;
	s24 =	sld [smem:$0x3FFE];
	[sflag:s23] =	ssyncadd.s32 $0xFFFFFFFF  }
0xa5: {  	s26 =	simm.s32 $execute0_lowered;
	[smem:$0x3FD2] =	sst s25  }
0xa6: {  	s5 =	sshll.u32 s26, $0x1;
	_ =	strace $0x80000046;
	[dreg:$0x1] =	wrdreg $0xFFFFFFFF  }
0xa7: {  	s28 =	simm.s32 $_size_execute0_lowered;
	s3 =	sadd.s32 s3, s5;
	[dreg:$0x0] =	wrdreg $0x0  }
0xa8: {  	s5 =	sshll.u32 s28, $0x1;
	[dreg:$0x2] =	wrdreg s3  }
0xa9: {  	[dreg:$0x3] =	wrdreg s5  }
0xaa: {  	[dreg:$0x4] =	wrdreg $0xC0  }
0xab: {  	_ =	task [dreg:s7], $0x5FFFF  }
0xac: {  	[dreg:$0x1] =	wrdreg $0xFFFFFFFF  }
0xad: {  	[dreg:$0x0] =	wrdreg $0x60  }
0xae: {  	[dreg:$0x2] =	wrdreg s24  }
0xaf: {  	[dreg:$0x3] =	wrdreg s2  }
0xb0: {  	[dreg:$0x4] =	wrdreg $0x9  }
0xb1: {  	_ =	task.clear_ibuf [dreg:s7], $0x5FFFF;
	_ =	strace $0x90000046  }
0xb2: {  	s29 =	simm.s32 $0x9;
	_ =	strace $0x80000048  }
0xb3: {  	_ =	swait.ge [sflag:s29], $0x1  }
0xb4: {  	[sflag:s29] =	ssyncadd.s32 $0xFFFFFFFF  }
0xb5: {  	_ =	strace $0x90000048  }
0xb6: {  	_ =	sfence  }
0xb7: {  	s30 =	sld [smem:$0x0];
	_ =	sdelay $0x2  }
0xb8: {  	s31 =	sshll.u32 s1, $0xD;
	s1 =	sshrl.u32 s1, $0x2  }
0xb9: {  	s3 =	sand.u32 $0x4000, s31;
	s1 =	sadd.s32 s1, s30  }
0xba: {  	s0 =	sor.u32 s3, s0;
	s1 =	sshll.u32 s1, $0x11  }
0xbb: {  	s0 =	sor.u32 s1, s0  }
0xbc: {  	s0 =	sadd.s32 $0x8F2B, s0  }
0xbd: {  	[sflag:s0] =	ssyncadd.remote.s32 $0x1  }
0xbe: {  	_ =	sfence.sel $0xFFFF  }
0xbf: {  	[dreg:$0x0] =	wrdreg $0xFFFFFFFF;
	(pc) =	sbr.abs _section_cstart, $3  }
0xc0: {  	[dreg:$0x1] =	wrdreg $0xFFFFFFFF  }
0xc1: {  	_ =	task.clear_ibuf [dreg:s7], $0x2FFFF;
	_ =	strace $0x9FFFFFFF  }
0xc2: {  	(tm) =	ssettm $0x7FFFFFFF  }
0xc3: {  	_ =	shalt  }
tec
execute0_lowered:
.L_overlay_start_1:
0x0: {  	(tag) =	ssettag $0x1  }
0x1: {  	s4 =	rddreg [dreg:$0x0]  }
0x2: {  	s11 =	rddreg [dreg:$0x1]  }
0x3: {  	s0 =	rddreg [dreg:$0x2]  }
0x4: {  	s2 =	simm.s32 $0x0;
	s3 =	srdreg.scid;
	s1 =	stileid.u32  }
0x5: {  	s15 =	simm.s32 $0x4100;
	s16 =	simm.s32 $0x1;
	s17 =	simm.s32 $0x2  }
0x6: {  	s18 =	simm.s32 $0x0;
	[smem:$0x7FF] =	sst s2;
	s9 =	sand.u32 $0x1, s3  }
0x7: {  	s6 =	sshll.u32 s1, $0xE;
	s3 =	sadd.s32 $0x1C00, s4;
	s12 =	sadd.s32 $0xC1C00, s4  }
0x8: {  	s14 =	sshll.u32 s1, $0x12;
	s5 =	ssub.s32 $0x2, s9;
	s7 =	sshll.u32 s9, $0xD  }
0x9: {  	_ =	strace $0x80000047;
	s8 =	sshrl.u32 s5, $0x1;
	s10 =	sor.u32 s7, s6  }
0xa: {  	s9 =	sshll.u32 s9, $0x11;
	s5 =	ssub.s32 s5, s8;
	s25 =	sshrl.u32 s10, $0x3  }
0xb: {  	s6 =	sshll.u32 s10, $0x4;
	s7 =	sor.u32 $0x1F80, s10;
	s29 =	sor.u32 $0x80, s10  }
0xc: {  	s10 =	sor.u32 $0x100, s10;
	s4 =	sadd.s32 s11, s25;
	s26 =	sadd.s32 s12, s6  }
0xd: {  	s5 =	smax.u32 s5, $0x1;
	s28 =	sshrl.u32 s7, $0x3;
	s13 =	sshll.u32 s7, $0x4  }
0xe: {  	s30 =	sshrl.u32 s29, $0x3;
	s31 =	sshrl.u32 s10, $0x3;
	s6 =	sadd.s32 s11, s28  }
0xf: {  	s7 =	sadd.s32 $0x1F000, s26;
	s8 =	sadd.s32 s12, s13;
	s12 =	sadd.s32 s14, s12  }
0x10: {  	s10 =	sadd.s32 s30, s11;
	s11 =	sadd.s32 s31, s11;
	s13 =	simm.s32 $0x80  }
0x11: {  	s14 =	simm.s32 $0x100;
	s9 =	sadd.s32 s9, s12;
	s12 =	simm.s32 $0x3  }
.LBB2_1:
0x12: {  	[tilespmem:s2], [sflag:$0x3] =	stream.linear.gather [hbm4b:s4+s2], $0x80, $0x38;
	[tilespmem:$0x8100] =	vst v63  }
0x13: {  	_ =	swait.ge [sflag:s12], $0x80  }
0x14: {  	[sflag:s12] =	ssyncset.done $0x0  }
0x15: {  	[sflag:s12] =	ssyncadd.s32 $0xFFFFFF80  }
0x16: {  	[tilespmem:s14], [sflag:$0x1] =	stream.indirect.gather [hbm4b:s3+s13], $0x80, s2, s13, $0xb8;
	[tilespmem:$0x8100] =	vst v63  }
0x17: {  	s19 =	sadd.s32 $0x0, s10  }
0x18: {  	[tilespmem:s13], [sflag:$0x3] =	stream.linear.gather [hbm4b:s19+s2], $0x80, $0x38;
	[tilespmem:$0x8100] =	vst v63  }
0x19: {  	_ =	swait.ge [sflag:s12], $0x80  }
0x1a: {  	[sflag:s12] =	ssyncset.done $0x0  }
0x1b: {  	[sflag:s12] =	ssyncadd.s32 $0xFFFFFF80  }
0x1c: {  	[tilespmem:s15], [sflag:$0x2] =	stream.indirect.gather [hbm4b:s3+s13], $0x80, s13, s13, $0xb8;
	[tilespmem:$0x8100] =	vst v63  }
0x1d: {  	_ =	swait.ge [sflag:s16], $0x4000  }
0x1e: {  	[sflag:s16] =	ssyncset.done $0x0  }
0x1f: {  	[sflag:s16] =	ssyncadd.s32 $0xFFFFC000  }
0x20: {  	[hbm4b:s9+s2] =	stream.linear.scatter [tilespmem:s14], [sflag:$0x3], $0x4000, $0x38;
	[tilespmem:$0x8100] =	vst v63  }
0x21: {  	_ =	swait.ge [sflag:s12], $0x4000  }
0x22: {  	[sflag:s12] =	ssyncset.done $0x0  }
0x23: {  	s30 =	sadd.s32 $0x0, s11;
	[sflag:s12] =	ssyncadd.s32 $0xFFFFC000  }
0x24: {  	[tilespmem:s2], [sflag:$0x3] =	stream.linear.gather [hbm4b:s30+s2], $0x80, $0x38;
	[tilespmem:$0x8100] =	vst v63  }
0x25: {  	_ =	swait.ge [sflag:s12], $0x80  }
0x26: {  	[sflag:s12] =	ssyncset.done $0x0  }
0x27: {  	[sflag:s12] =	ssyncadd.s32 $0xFFFFFF80  }
0x28: {  	[tilespmem:s14], [sflag:$0x1] =	stream.indirect.gather [hbm4b:s3+s13], $0x80, s2, s13, $0xb8;
	[tilespmem:$0x8100] =	vst v63  }
0x29: {  	_ =	swait.ge [sflag:s17], $0x4000  }
0x2a: {  	[sflag:s17] =	ssyncset.done $0x0  }
0x2b: {  	s31 =	sadd.s32 $0x800, s9;
	[sflag:s17] =	ssyncadd.s32 $0xFFFFC000  }
0x2c: {  	[hbm4b:s31+s2] =	stream.linear.scatter [tilespmem:s15], [sflag:$0x3], $0x4000, $0x38;
	[tilespmem:$0x8100] =	vst v63  }
0x2d: {  	s20 =	simm.s32 $0x20;
	_ =	swait.ge [sflag:s12], $0x4000  }
0x2e: {  	s21 =	simm.s32 $0x40;
	s19 =	sadd.s32 $0x1000, s9;
	[sflag:s12] =	ssyncset.done $0x0  }
.LBB2_2:
0x2f: {  	s22 =	sadd.s32 s20, s10  }
0x30: {  	[sflag:s12] =	ssyncadd.s32 $0xFFFFC000;
	s23 =	smov.u32 s21;
	s24 =	sadd.s32 $0x20, s21  }
0x31: {  	[tilespmem:s13], [sflag:$0x3] =	stream.linear.gather [hbm4b:s22+s2], $0x80, $0x38;
	[tilespmem:$0x8100] =	vst v63  }
0x32: {  	p0 =	sne.s32 s21, $0x3C0;
	_ =	swait.ge [sflag:s12], $0x80  }
0x33: {  	[sflag:s12] =	ssyncset.done $0x0  }
0x34: {  	[sflag:s12] =	ssyncadd.s32 $0xFFFFFF80  }
0x35: {  	[tilespmem:s15], [sflag:$0x2] =	stream.indirect.gather [hbm4b:s3+s13], $0x80, s13, s13, $0xb8;
	[tilespmem:$0x8100] =	vst v63  }
0x36: {  	_ =	swait.ge [sflag:s16], $0x4000  }
0x37: {  	[sflag:s16] =	ssyncset.done $0x0  }
0x38: {  	[sflag:s16] =	ssyncadd.s32 $0xFFFFC000  }
0x39: {  	[hbm4b:s19+s2] =	stream.linear.scatter [tilespmem:s14], [sflag:$0x3], $0x4000, $0x38;
	[tilespmem:$0x8100] =	vst v63  }
0x3a: {  	_ =	swait.ge [sflag:s12], $0x4000  }
0x3b: {  	[sflag:s12] =	ssyncset.done $0x0  }
0x3c: {  	s21 =	sadd.s32 s20, s11;
	s20 =	smov.u32 s23;
	[sflag:s12] =	ssyncadd.s32 $0xFFFFC000  }
0x3d: {  	[tilespmem:s2], [sflag:$0x3] =	stream.linear.gather [hbm4b:s21+s2], $0x80, $0x38;
	[tilespmem:$0x8100] =	vst v63  }
0x3e: {  	_ =	swait.ge [sflag:s12], $0x80  }
0x3f: {  	[sflag:s12] =	ssyncset.done $0x0  }
0x40: {  	[sflag:s12] =	ssyncadd.s32 $0xFFFFFF80  }
0x41: {  	[tilespmem:s14], [sflag:$0x1] =	stream.indirect.gather [hbm4b:s3+s13], $0x80, s2, s13, $0xb8;
	[tilespmem:$0x8100] =	vst v63  }
0x42: {  	_ =	swait.ge [sflag:s17], $0x4000  }
.Ltmp0:
0x43: {  	[sflag:s17] =	ssyncset.done $0x0;
	(pc) =	sbr.rel @p0 .LBB2_2-.Ltmp0, $4  }
0x44: {  	s21 =	sadd.s32 $0x800, s19;
	[sflag:s17] =	ssyncadd.s32 $0xFFFFC000  }
0x45: {  	[hbm4b:s21+s2] =	stream.linear.scatter [tilespmem:s15], [sflag:$0x3], $0x4000, $0x38;
	[tilespmem:$0x8100] =	vst v63  }
0x46: {  	_ =	swait.ge [sflag:s12], $0x4000  }
0x47: {  	s19 =	sadd.s32 $0x1000, s19;
	s21 =	smov.u32 s24;
	[sflag:s12] =	ssyncset.done $0x0  }
0x48: {  	s21 =	sadd.s32 s20, s10;
	[sflag:s12] =	ssyncadd.s32 $0xFFFFC000  }
0x49: {  	[tilespmem:s13], [sflag:$0x3] =	stream.linear.gather [hbm4b:s21+s2], $0x80, $0x38;
	[tilespmem:$0x8100] =	vst v63  }
0x4a: {  	_ =	swait.ge [sflag:s12], $0x80  }
0x4b: {  	[sflag:s12] =	ssyncset.done $0x0  }
0x4c: {  	[sflag:s12] =	ssyncadd.s32 $0xFFFFFF80  }
0x4d: {  	[tilespmem:s15], [sflag:$0x2] =	stream.indirect.gather [hbm4b:s3+s13], $0x80, s13, s13, $0xb8;
	[tilespmem:$0x8100] =	vst v63  }
0x4e: {  	_ =	swait.ge [sflag:s16], $0x4000  }
0x4f: {  	[sflag:s16] =	ssyncset.done $0x0  }
0x50: {  	[sflag:s16] =	ssyncadd.s32 $0xFFFFC000  }
0x51: {  	[hbm4b:s19+s2] =	stream.linear.scatter [tilespmem:s14], [sflag:$0x3], $0x4000, $0x38;
	[tilespmem:$0x8100] =	vst v63  }
0x52: {  	_ =	swait.ge [sflag:s12], $0x4000  }
0x53: {  	[sflag:s12] =	ssyncset.done $0x0  }
0x54: {  	s30 =	sadd.s32 s20, s11;
	[sflag:s12] =	ssyncadd.s32 $0xFFFFC000  }
0x55: {  	[tilespmem:s2], [sflag:$0x3] =	stream.linear.gather [hbm4b:s30+s2], $0x80, $0x38;
	[tilespmem:$0x8100] =	vst v63  }
0x56: {  	_ =	swait.ge [sflag:s12], $0x80  }
0x57: {  	[sflag:s12] =	ssyncset.done $0x0  }
0x58: {  	[sflag:s12] =	ssyncadd.s32 $0xFFFFFF80  }
0x59: {  	[tilespmem:s14], [sflag:$0x1] =	stream.indirect.gather [hbm4b:s3+s13], $0x80, s2, s13, $0xb8;
	[tilespmem:$0x8100] =	vst v63  }
0x5a: {  	_ =	swait.ge [sflag:s17], $0x4000  }
0x5b: {  	[sflag:s17] =	ssyncset.done $0x0  }
0x5c: {  	s31 =	sadd.s32 $0x800, s19;
	[sflag:s17] =	ssyncadd.s32 $0xFFFFC000  }
0x5d: {  	[hbm4b:s31+s2] =	stream.linear.scatter [tilespmem:s15], [sflag:$0x3], $0x4000, $0x38;
	[tilespmem:$0x8100] =	vst v63  }
0x5e: {  	_ =	swait.ge [sflag:s12], $0x4000  }
0x5f: {  	[sflag:s12] =	ssyncset.done $0x0  }
0x60: {  	[sflag:s12] =	ssyncadd.s32 $0xFFFFC000  }
0x61: {  	[tilespmem:s13], [sflag:$0x3] =	stream.linear.gather [hbm4b:s6+s2], $0x80, $0x38;
	[tilespmem:$0x8100] =	vst v63  }
0x62: {  	_ =	swait.ge [sflag:s12], $0x80  }
0x63: {  	[sflag:s12] =	ssyncset.done $0x0  }
0x64: {  	[sflag:s12] =	ssyncadd.s32 $0xFFFFFF80  }
0x65: {  	[tilespmem:s15], [sflag:$0x2] =	stream.indirect.gather [hbm4b:s3+s13], $0x80, s13, s13, $0xb8;
	[tilespmem:$0x8100] =	vst v63  }
0x66: {  	_ =	swait.ge [sflag:s16], $0x4000  }
0x67: {  	[sflag:s16] =	ssyncset.done $0x0  }
0x68: {  	[sflag:s16] =	ssyncadd.s32 $0xFFFFC000  }
0x69: {  	[hbm4b:s7+s2] =	stream.linear.scatter [tilespmem:s14], [sflag:$0x3], $0x4000, $0x38;
	[tilespmem:$0x8100] =	vst v63  }
0x6a: {  	_ =	swait.ge [sflag:s12], $0x4000  }
0x6b: {  	[sflag:s12] =	ssyncset.done $0x0  }
0x6c: {  	[sflag:s12] =	ssyncadd.s32 $0xFFFFC000  }
0x6d: {  	s18 =	sadd.s32 $0x1, s18;
	_ =	swait.ge [sflag:s17], $0x4000  }
0x6e: {  	p0 =	sne.s32 s18, s5;
	[sflag:s17] =	ssyncset.done $0x0  }
.Ltmp1:
0x6f: {  	[sflag:s17] =	ssyncadd.s32 $0xFFFFC000;
	(pc) =	sbr.rel @p0 .LBB2_1-.Ltmp1, $4  }
0x70: {  	[hbm4b:s8+s2] =	stream.linear.scatter [tilespmem:s15], [sflag:$0x3], $0x4000, $0x38;
	[tilespmem:$0x8100] =	vst v63  }
0x71: {  	_ =	swait.ge [sflag:s12], $0x4000  }
0x72: {  	[sflag:s12] =	ssyncset.done $0x0  }
0x73: {  	[sflag:s12] =	ssyncadd.s32 $0xFFFFC000  }
0x74: {  	_ =	sfence.sel $0x180000  }
0x75: {  	[bflag:$0x0] =	sbarrier.arrive $0xFFFF  }
0x76: {  	p0 =	sne.s32 s1, $0x0;
	_ =	strace $0x90000047  }
0x77: {  	s0 =	sadd.s32 @!p0 $0x100000, s0;
	[bflag:$0x2] =	sbarrier.arrive $0xFFFF  }
0x78: {  	[sflag:s0] =	ssyncadd.tile.s32 @!p0 $0x1;
	_ =	shalt  }
.Lfunc_end2:
_tile_overlayer_lowered:
.L_overlay_start_2:
0x79: {  	(tag) =	ssettag $0x2  }
0x7a: {  	s0 =	rddreg [dreg:$0x0];
	s2 =	stileid.u32  }
0x7b: {  	s1 =	rddreg [dreg:$0x1];
	p0 =	sne.s32 s2, $0x0  }
0x7c: {  	s3 =	rddreg [dreg:$0x2];
	[bflag:$0x3] =	sbarrier.arrive $0xFFFF;
	s2 =	simm.s32 @!p0 $0x1C03  }
0x7d: {  	[timem:s3], [sflag:s2] =	dma.local @!p0 [hbm:s0], s1  }
0x7e: {  	s0 =	simm.s32 @!p0 $0x3  }
0x7f: {  	_ =	swait.ge @!p0 [sflag:s0], s1  }
0x80: {  	s1 =	ssub.s32 @!p0 $0x0, s1;
	[sflag:s0] =	ssyncset.done @!p0 $0x0  }
0x81: {  	[sflag:s0] =	ssyncadd.s32 @!p0 s1  }
0x82: {  	[bflag:$0x3] =	sbarrier.arrive $0xFFFF  }
0x83: {  	_ =	shalt  }

</sc_bundles>
